<compile_context>
chip_gen: v7x
topology: tpu7x:2x2x1
jax: 0.10.2.dev20260603
libtpu: 0.0.44.dev20260713+nightly
codegen_flags: <defaults>
</compile_context>

<pallas_src>
import functools

import jax
import jax.numpy as jnp
from jax import lax
from jax.experimental import pallas as pl
from jax.experimental.pallas import tpu as pltpu
from jax.experimental.pallas import tpu_sc as plsc

_L = 16
_CHUNK = 80


def _make_kernel(n_nodes, d_model, n_edges, num_workers):
    assert n_edges % (num_workers * _CHUNK) == 0
    per_worker = n_edges // num_workers
    n_chunks = per_worker // _CHUNK
    n_groups = _CHUNK // _L

    mesh = plsc.VectorSubcoreMesh(core_axis_name="c", subcore_axis_name="s")

    @functools.partial(
        pl.kernel,
        mesh=mesh,
        compiler_params=pltpu.CompilerParams(
            needs_layout_passes=False, use_tc_tiling_on_sc=False),
        out_type=jax.ShapeDtypeStruct((n_edges,), jnp.float32),
        scratch_types=[
            pltpu.VMEM((per_worker,), jnp.int32),
            pltpu.VMEM((per_worker,), jnp.int32),
            pltpu.VMEM((per_worker,), jnp.float32),
            pltpu.VMEM((4 * _CHUNK, d_model), jnp.float32),
            pltpu.VMEM((4 * _CHUNK, d_model), jnp.float32),
            pltpu.VMEM((_CHUNK * _L,), jnp.float32),
            pltpu.SemaphoreType.DMA,
            pltpu.SemaphoreType.DMA,
        ],
    )
    def decoder(z_hbm, src_hbm, dst_hbm, out_hbm,
                idx_s, idx_d, out_v, rows_s, rows_d, partials, sem_s, sem_d):
        wid = lax.axis_index("s") * 2 + lax.axis_index("c")
        base = wid * per_worker
        lane = jnp.arange(_L, dtype=jnp.int32)

        pltpu.sync_copy(src_hbm.at[pl.ds(base, per_worker)], idx_s)
        pltpu.sync_copy(dst_hbm.at[pl.ds(base, per_worker)], idx_d)

        def issue(c, p):
            h_s = pltpu.async_copy(
                z_hbm.at[idx_s.at[pl.ds(c * _CHUNK, _CHUNK)]],
                rows_s.at[pl.ds(p * _CHUNK, _CHUNK), :], sem_s)
            h_d = pltpu.async_copy(
                z_hbm.at[idx_d.at[pl.ds(c * _CHUNK, _CHUNK)]],
                rows_d.at[pl.ds(p * _CHUNK, _CHUNK), :], sem_d)
            return h_s, h_d

        hs0, hd0 = issue(jnp.int32(0), jnp.int32(0))
        issue(jnp.int32(1), jnp.int32(1))
        issue(jnp.int32(2), jnp.int32(2))

        def chunk_body(c, _):
            p = lax.rem(c, 4)

            @pl.when(c + 3 < n_chunks)
            def _():
                issue(c + 3, lax.rem(c + 3, 4))

            hs0.wait()
            hd0.wait()

            row0 = p * _CHUNK

            @plsc.parallel_loop(0, _CHUNK, unroll=4)
            def _(e):
                acc0 = (rows_s[row0 + e, pl.ds(0, _L)]
                        * rows_d[row0 + e, pl.ds(0, _L)])
                acc1 = (rows_s[row0 + e, pl.ds(_L, _L)]
                        * rows_d[row0 + e, pl.ds(_L, _L)])
                for k in range(2, d_model // _L, 2):
                    acc0 = acc0 + (
                        rows_s[row0 + e, pl.ds(k * _L, _L)]
                        * rows_d[row0 + e, pl.ds(k * _L, _L)])
                    acc1 = acc1 + (
                        rows_s[row0 + e, pl.ds((k + 1) * _L, _L)]
                        * rows_d[row0 + e, pl.ds((k + 1) * _L, _L)])
                partials[pl.ds(e * _L, _L)] = acc0 + acc1

            for g in range(n_groups):
                flat_base = (lane + g * _L) * _L
                t = [plsc.load_gather(partials, [flat_base + j])
                     for j in range(_L)]
                while len(t) > 1:
                    t = [t[i] + t[i + 1] for i in range(0, len(t), 2)]
                out_v[pl.ds(c * _CHUNK + g * _L, _L)] = (
                    1.0 / (1.0 + jnp.exp(-t[0])))
            return ()

        lax.fori_loop(0, n_chunks, chunk_body, ())
        pltpu.sync_copy(out_v, out_hbm.at[pl.ds(base, per_worker)])

    return decoder


def kernel(z, edge_index):
    n_nodes, d_model = z.shape
    n_edges = edge_index.shape[1]
    src = edge_index[0].astype(jnp.int32)
    dst = edge_index[1].astype(jnp.int32)
    decoder = _make_kernel(n_nodes, d_model, n_edges, num_workers=32)
    return decoder(z, src, dst)

# --- scband reference (transcript-rebuilt; emitter-appended) ---
"""Pipeline reference for scband-vgae-decoder-13640816132537 (READ-ONLY COPY).

The authoritative reference and input builder live on the scoring server;
editing this copy changes nothing except your own understanding.
"""

import jax, jax.numpy as jnp
import numpy as np


def setup_inputs(seed: int = 0) -> dict:
    key = jax.random.key(seed)
    k1, k2 = jax.random.split(key)
    z = jax.random.normal(k1, (10000, 128), dtype=jnp.float32)
    edge_index = jax.random.randint(k2, (2, 320000), 0, 10000, dtype=jnp.int64)
    return {"z": z, "edge_index": edge_index}


def reference(z, edge_index):
    src = edge_index[0]
    dst = edge_index[1]
    score = jnp.sum(jnp.take(z, src, axis=0) * jnp.take(z, dst, axis=0), axis=-1)
    return jax.nn.sigmoid(score)

if __name__ == "__main__":
    import jax
    _d = setup_inputs()
    print(jax.jit(kernel)(*tuple(_d.values())))

</pallas_src>

<mosaic_0001>
#map = affine_map<(d0, d1) -> (0, 0)>
#map1 = affine_map<(d0, d1) -> (0)>
module attributes {stable_mosaic.version = 14 : i64} {
  func.func @decoder(%arg0: i32, %arg1: i32, %arg2: memref<10000x128xf32, #tpu.memory_space<hbm>>, %arg3: memref<320000xi32, #tpu.memory_space<hbm>>, %arg4: memref<320000xi32, #tpu.memory_space<hbm>>, %arg5: memref<320000xf32, #tpu.memory_space<hbm>>, %arg6: memref<10000xi32, #tpu.memory_space<vmem>>, %arg7: memref<10000xi32, #tpu.memory_space<vmem>>, %arg8: memref<10000xf32, #tpu.memory_space<vmem>>, %arg9: memref<320x128xf32, #tpu.memory_space<vmem>>, %arg10: memref<320x128xf32, #tpu.memory_space<vmem>>, %arg11: memref<1280xf32, #tpu.memory_space<vmem>>, %arg12: memref<!tpu.dma_semaphore, #tpu.memory_space<semaphore_mem>>, %arg13: memref<!tpu.dma_semaphore, #tpu.memory_space<semaphore_mem>>) attributes {dimension_semantics = [#tpu.dimension_semantics<core_parallel>, #tpu.dimension_semantics<subcore_parallel>], iteration_bounds = array<i64: 2, 16>, scalar_prefetch = 0 : i64, scratch_operands = 8 : i64, tpu.core_type = #tpu.core_type<sc_vector_subcore>, window_params = [{transform_indices = #map}, {transform_indices = #map1}, {transform_indices = #map1}, {transform_indices = #map1}]} {
    %mul3A = arith.constant 2 : i32
    %mul3A_0 = arith.muli %arg1, %mul3A : i32
    %add3A = arith.addi %mul3A_0, %arg0 : i32
    %mul3A_1 = arith.constant 10000 : i32
    %mul3A_2 = arith.muli %add3A, %mul3A_1 : i32
    %iota3A = tpu.iota {dimensions = array<i32: 0>} : vector<16xi32>
    "tpu.region"() ({
      %run_scoped3A = tpu.sem_alloc : memref<!tpu.dma_semaphore, #tpu.memory_space<semaphore_mem>>
      %dma_start3A_78 = tpu.memref_slice %arg3[%mul3A_2] : memref<320000xi32, #tpu.memory_space<hbm>> -> memref<10000xi32, #tpu.memory_space<hbm>>
      %dma_start3A_79 = tpu.memref_slice %arg3[%mul3A_2] : memref<320000xi32, #tpu.memory_space<hbm>> -> memref<10000xi32, #tpu.memory_space<hbm>>
      tpu.enqueue_dma source(%dma_start3A_79 : memref<10000xi32, #tpu.memory_space<hbm>>) target(%arg6 : memref<10000xi32, #tpu.memory_space<vmem>>) target_semaphore(%run_scoped3A : memref<!tpu.dma_semaphore, #tpu.memory_space<semaphore_mem>>)
      %dma_wait3A = tpu.memref_slice %arg3[%mul3A_2] : memref<320000xi32, #tpu.memory_space<hbm>> -> memref<10000xi32, #tpu.memory_space<hbm>>
      %dma_wait3A_80 = tpu.memref_slice %arg3[%mul3A_2] : memref<320000xi32, #tpu.memory_space<hbm>> -> memref<10000xi32, #tpu.memory_space<hbm>>
      tpu.wait_dma2 semaphore(%run_scoped3A : memref<!tpu.dma_semaphore, #tpu.memory_space<semaphore_mem>>) src(%dma_wait3A_80 : memref<10000xi32, #tpu.memory_space<hbm>>) dst(%arg6 : memref<10000xi32, #tpu.memory_space<vmem>>)
      tpu.yield
    }) : () -> ()
    "tpu.region"() ({
      %run_scoped3A = tpu.sem_alloc : memref<!tpu.dma_semaphore, #tpu.memory_space<semaphore_mem>>
      %dma_start3A_78 = tpu.memref_slice %arg4[%mul3A_2] : memref<320000xi32, #tpu.memory_space<hbm>> -> memref<10000xi32, #tpu.memory_space<hbm>>
      %dma_start3A_79 = tpu.memref_slice %arg4[%mul3A_2] : memref<320000xi32, #tpu.memory_space<hbm>> -> memref<10000xi32, #tpu.memory_space<hbm>>
      tpu.enqueue_dma source(%dma_start3A_79 : memref<10000xi32, #tpu.memory_space<hbm>>) target(%arg7 : memref<10000xi32, #tpu.memory_space<vmem>>) target_semaphore(%run_scoped3A : memref<!tpu.dma_semaphore, #tpu.memory_space<semaphore_mem>>)
      %dma_wait3A = tpu.memref_slice %arg4[%mul3A_2] : memref<320000xi32, #tpu.memory_space<hbm>> -> memref<10000xi32, #tpu.memory_space<hbm>>
      %dma_wait3A_80 = tpu.memref_slice %arg4[%mul3A_2] : memref<320000xi32, #tpu.memory_space<hbm>> -> memref<10000xi32, #tpu.memory_space<hbm>>
      tpu.wait_dma2 semaphore(%run_scoped3A : memref<!tpu.dma_semaphore, #tpu.memory_space<semaphore_mem>>) src(%dma_wait3A_80 : memref<10000xi32, #tpu.memory_space<hbm>>) dst(%arg7 : memref<10000xi32, #tpu.memory_space<vmem>>)
      tpu.yield
    }) : () -> ()
    %mul3A_3 = arith.constant 0 : i32
    %mul3A_4 = arith.constant 80 : i32
    %mul3A_5 = arith.muli %mul3A_3, %mul3A_4 : i32
    %mul3A_6 = arith.constant 0 : i32
    %mul3A_7 = arith.constant 80 : i32
    %mul3A_8 = arith.muli %mul3A_6, %mul3A_7 : i32
    %dma_start3A = arith.constant 0 : i32
    %dma_start3A_9 = tpu.memref_slice %arg9[%mul3A_8, %dma_start3A] : memref<320x128xf32, #tpu.memory_space<vmem>> -> memref<80x128xf32, #tpu.memory_space<vmem>>
    %dma_start3A_10 = tpu.memref_slice %arg6[%mul3A_5] : memref<10000xi32, #tpu.memory_space<vmem>> -> memref<80xi32, #tpu.memory_space<vmem>>
    %dma_start3A_11 = arith.constant 0 : i32
    %dma_start3A_12 = arith.constant 0 : i32
    %dma_start3A_13 = tpu.memref_slice %arg2[%dma_start3A_11, %dma_start3A_12] : memref<10000x128xf32, #tpu.memory_space<hbm>> -> memref<10000x128xf32, #tpu.memory_space<hbm>>
    tpu.enqueue_indirect_dma source(%dma_start3A_13 : memref<10000x128xf32, #tpu.memory_space<hbm>>) target(%dma_start3A_9 : memref<80x128xf32, #tpu.memory_space<vmem>>) offsets(%dma_start3A_10 : memref<80xi32, #tpu.memory_space<vmem>>) semaphore(%arg12 : memref<!tpu.dma_semaphore, #tpu.memory_space<semaphore_mem>>)
    %mul3A_14 = arith.constant 0 : i32
    %mul3A_15 = arith.constant 80 : i32
    %mul3A_16 = arith.muli %mul3A_14, %mul3A_15 : i32
    %mul3A_17 = arith.constant 0 : i32
    %mul3A_18 = arith.constant 80 : i32
    %mul3A_19 = arith.muli %mul3A_17, %mul3A_18 : i32
    %dma_start3A_20 = arith.constant 0 : i32
    %dma_start3A_21 = tpu.memref_slice %arg10[%mul3A_19, %dma_start3A_20] : memref<320x128xf32, #tpu.memory_space<vmem>> -> memref<80x128xf32, #tpu.memory_space<vmem>>
    %dma_start3A_22 = tpu.memref_slice %arg7[%mul3A_16] : memref<10000xi32, #tpu.memory_space<vmem>> -> memref<80xi32, #tpu.memory_space<vmem>>
    %dma_start3A_23 = arith.constant 0 : i32
    %dma_start3A_24 = arith.constant 0 : i32
    %dma_start3A_25 = tpu.memref_slice %arg2[%dma_start3A_23, %dma_start3A_24] : memref<10000x128xf32, #tpu.memory_space<hbm>> -> memref<10000x128xf32, #tpu.memory_space<hbm>>
    tpu.enqueue_indirect_dma source(%dma_start3A_25 : memref<10000x128xf32, #tpu.memory_space<hbm>>) target(%dma_start3A_21 : memref<80x128xf32, #tpu.memory_space<vmem>>) offsets(%dma_start3A_22 : memref<80xi32, #tpu.memory_space<vmem>>) semaphore(%arg13 : memref<!tpu.dma_semaphore, #tpu.memory_space<semaphore_mem>>)
    %mul3A_26 = arith.constant 1 : i32
    %mul3A_27 = arith.constant 80 : i32
    %mul3A_28 = arith.muli %mul3A_26, %mul3A_27 : i32
    %mul3A_29 = arith.constant 1 : i32
    %mul3A_30 = arith.constant 80 : i32
    %mul3A_31 = arith.muli %mul3A_29, %mul3A_30 : i32
    %dma_start3A_32 = arith.constant 0 : i32
    %dma_start3A_33 = tpu.memref_slice %arg9[%mul3A_31, %dma_start3A_32] : memref<320x128xf32, #tpu.memory_space<vmem>> -> memref<80x128xf32, #tpu.memory_space<vmem>>
    %dma_start3A_34 = tpu.memref_slice %arg6[%mul3A_28] : memref<10000xi32, #tpu.memory_space<vmem>> -> memref<80xi32, #tpu.memory_space<vmem>>
    %dma_start3A_35 = arith.constant 0 : i32
    %dma_start3A_36 = arith.constant 0 : i32
    %dma_start3A_37 = tpu.memref_slice %arg2[%dma_start3A_35, %dma_start3A_36] : memref<10000x128xf32, #tpu.memory_space<hbm>> -> memref<10000x128xf32, #tpu.memory_space<hbm>>
    tpu.enqueue_indirect_dma source(%dma_start3A_37 : memref<10000x128xf32, #tpu.memory_space<hbm>>) target(%dma_start3A_33 : memref<80x128xf32, #tpu.memory_space<vmem>>) offsets(%dma_start3A_34 : memref<80xi32, #tpu.memory_space<vmem>>) semaphore(%arg12 : memref<!tpu.dma_semaphore, #tpu.memory_space<semaphore_mem>>)
    %mul3A_38 = arith.constant 1 : i32
    %mul3A_39 = arith.constant 80 : i32
    %mul3A_40 = arith.muli %mul3A_38, %mul3A_39 : i32
    %mul3A_41 = arith.constant 1 : i32
    %mul3A_42 = arith.constant 80 : i32
    %mul3A_43 = arith.muli %mul3A_41, %mul3A_42 : i32
    %dma_start3A_44 = arith.constant 0 : i32
    %dma_start3A_45 = tpu.memref_slice %arg10[%mul3A_43, %dma_start3A_44] : memref<320x128xf32, #tpu.memory_space<vmem>> -> memref<80x128xf32, #tpu.memory_space<vmem>>
    %dma_start3A_46 = tpu.memref_slice %arg7[%mul3A_40] : memref<10000xi32, #tpu.memory_space<vmem>> -> memref<80xi32, #tpu.memory_space<vmem>>
    %dma_start3A_47 = arith.constant 0 : i32
    %dma_start3A_48 = arith.constant 0 : i32
    %dma_start3A_49 = tpu.memref_slice %arg2[%dma_start3A_47, %dma_start3A_48] : memref<10000x128xf32, #tpu.memory_space<hbm>> -> memref<10000x128xf32, #tpu.memory_space<hbm>>
    tpu.enqueue_indirect_dma source(%dma_start3A_49 : memref<10000x128xf32, #tpu.memory_space<hbm>>) target(%dma_start3A_45 : memref<80x128xf32, #tpu.memory_space<vmem>>) offsets(%dma_start3A_46 : memref<80xi32, #tpu.memory_space<vmem>>) semaphore(%arg13 : memref<!tpu.dma_semaphore, #tpu.memory_space<semaphore_mem>>)
    %mul3A_50 = arith.constant 2 : i32
    %mul3A_51 = arith.constant 80 : i32
    %mul3A_52 = arith.muli %mul3A_50, %mul3A_51 : i32
    %mul3A_53 = arith.constant 2 : i32
    %mul3A_54 = arith.constant 80 : i32
    %mul3A_55 = arith.muli %mul3A_53, %mul3A_54 : i32
    %dma_start3A_56 = arith.constant 0 : i32
    %dma_start3A_57 = tpu.memref_slice %arg9[%mul3A_55, %dma_start3A_56] : memref<320x128xf32, #tpu.memory_space<vmem>> -> memref<80x128xf32, #tpu.memory_space<vmem>>
    %dma_start3A_58 = tpu.memref_slice %arg6[%mul3A_52] : memref<10000xi32, #tpu.memory_space<vmem>> -> memref<80xi32, #tpu.memory_space<vmem>>
    %dma_start3A_59 = arith.constant 0 : i32
    %dma_start3A_60 = arith.constant 0 : i32
    %dma_start3A_61 = tpu.memref_slice %arg2[%dma_start3A_59, %dma_start3A_60] : memref<10000x128xf32, #tpu.memory_space<hbm>> -> memref<10000x128xf32, #tpu.memory_space<hbm>>
    tpu.enqueue_indirect_dma source(%dma_start3A_61 : memref<10000x128xf32, #tpu.memory_space<hbm>>) target(%dma_start3A_57 : memref<80x128xf32, #tpu.memory_space<vmem>>) offsets(%dma_start3A_58 : memref<80xi32, #tpu.memory_space<vmem>>) semaphore(%arg12 : memref<!tpu.dma_semaphore, #tpu.memory_space<semaphore_mem>>)
    %mul3A_62 = arith.constant 2 : i32
    %mul3A_63 = arith.constant 80 : i32
    %mul3A_64 = arith.muli %mul3A_62, %mul3A_63 : i32
    %mul3A_65 = arith.constant 2 : i32
    %mul3A_66 = arith.constant 80 : i32
    %mul3A_67 = arith.muli %mul3A_65, %mul3A_66 : i32
    %dma_start3A_68 = arith.constant 0 : i32
    %dma_start3A_69 = tpu.memref_slice %arg10[%mul3A_67, %dma_start3A_68] : memref<320x128xf32, #tpu.memory_space<vmem>> -> memref<80x128xf32, #tpu.memory_space<vmem>>
    %dma_start3A_70 = tpu.memref_slice %arg7[%mul3A_64] : memref<10000xi32, #tpu.memory_space<vmem>> -> memref<80xi32, #tpu.memory_space<vmem>>
    %dma_start3A_71 = arith.constant 0 : i32
    %dma_start3A_72 = arith.constant 0 : i32
    %dma_start3A_73 = tpu.memref_slice %arg2[%dma_start3A_71, %dma_start3A_72] : memref<10000x128xf32, #tpu.memory_space<hbm>> -> memref<10000x128xf32, #tpu.memory_space<hbm>>
    tpu.enqueue_indirect_dma source(%dma_start3A_73 : memref<10000x128xf32, #tpu.memory_space<hbm>>) target(%dma_start3A_69 : memref<80x128xf32, #tpu.memory_space<vmem>>) offsets(%dma_start3A_70 : memref<80xi32, #tpu.memory_space<vmem>>) semaphore(%arg13 : memref<!tpu.dma_semaphore, #tpu.memory_space<semaphore_mem>>)
    %scan3A = arith.constant 0 : i32
    %scan3A_74 = arith.constant 125 : i32
    %scan3A_75 = arith.addi %scan3A, %scan3A_74 : i32
    %scan3A_76 = arith.constant 1 : i32
    scf.for %scan3A_78 = %scan3A to %scan3A_75 step %scan3A_76  : i32 {
      %rem3A = arith.constant 4 : i32
      %rem3A_79 = arith.remsi %scan3A_78, %rem3A : i32
      %add3A_80 = arith.constant 3 : i32
      %add3A_81 = arith.addi %scan3A_78, %add3A_80 : i32
      %lt3A = arith.constant 125 : i32
      %lt3A_82 = arith.cmpi slt, %add3A_81, %lt3A : i32
      %convert_element_type3A = arith.extui %lt3A_82 : i1 to i32
      %cond3A = arith.constant 0 : i32
      %cond3A_83 = arith.cmpi ne, %convert_element_type3A, %cond3A : i32
      scf.if %cond3A_83 {
        %add3A_599 = arith.constant 3 : i32
        %add3A_600 = arith.addi %scan3A_78, %add3A_599 : i32
        %add3A_601 = arith.constant 3 : i32
        %add3A_602 = arith.addi %scan3A_78, %add3A_601 : i32
        %rem3A_603 = arith.constant 4 : i32
        %rem3A_604 = arith.remsi %add3A_602, %rem3A_603 : i32
        %mul3A_605 = arith.constant 80 : i32
        %mul3A_606 = arith.muli %add3A_600, %mul3A_605 : i32
        %mul3A_607 = arith.constant 80 : i32
        %mul3A_608 = arith.muli %rem3A_604, %mul3A_607 : i32
        %dma_start3A_609 = arith.constant 0 : i32
        %dma_start3A_610 = tpu.memref_slice %arg9[%mul3A_608, %dma_start3A_609] : memref<320x128xf32, #tpu.memory_space<vmem>> -> memref<80x128xf32, #tpu.memory_space<vmem>>
        %dma_start3A_611 = tpu.memref_slice %arg6[%mul3A_606] : memref<10000xi32, #tpu.memory_space<vmem>> -> memref<80xi32, #tpu.memory_space<vmem>>
        %dma_start3A_612 = arith.constant 0 : i32
        %dma_start3A_613 = arith.constant 0 : i32
        %dma_start3A_614 = tpu.memref_slice %arg2[%dma_start3A_612, %dma_start3A_613] : memref<10000x128xf32, #tpu.memory_space<hbm>> -> memref<10000x128xf32, #tpu.memory_space<hbm>>
        tpu.enqueue_indirect_dma source(%dma_start3A_614 : memref<10000x128xf32, #tpu.memory_space<hbm>>) target(%dma_start3A_610 : memref<80x128xf32, #tpu.memory_space<vmem>>) offsets(%dma_start3A_611 : memref<80xi32, #tpu.memory_space<vmem>>) semaphore(%arg12 : memref<!tpu.dma_semaphore, #tpu.memory_space<semaphore_mem>>)
        %mul3A_615 = arith.constant 80 : i32
        %mul3A_616 = arith.muli %add3A_600, %mul3A_615 : i32
        %mul3A_617 = arith.constant 80 : i32
        %mul3A_618 = arith.muli %rem3A_604, %mul3A_617 : i32
        %dma_start3A_619 = arith.constant 0 : i32
        %dma_start3A_620 = tpu.memref_slice %arg10[%mul3A_618, %dma_start3A_619] : memref<320x128xf32, #tpu.memory_space<vmem>> -> memref<80x128xf32, #tpu.memory_space<vmem>>
        %dma_start3A_621 = tpu.memref_slice %arg7[%mul3A_616] : memref<10000xi32, #tpu.memory_space<vmem>> -> memref<80xi32, #tpu.memory_space<vmem>>
        %dma_start3A_622 = arith.constant 0 : i32
        %dma_start3A_623 = arith.constant 0 : i32
        %dma_start3A_624 = tpu.memref_slice %arg2[%dma_start3A_622, %dma_start3A_623] : memref<10000x128xf32, #tpu.memory_space<hbm>> -> memref<10000x128xf32, #tpu.memory_space<hbm>>
        tpu.enqueue_indirect_dma source(%dma_start3A_624 : memref<10000x128xf32, #tpu.memory_space<hbm>>) target(%dma_start3A_620 : memref<80x128xf32, #tpu.memory_space<vmem>>) offsets(%dma_start3A_621 : memref<80xi32, #tpu.memory_space<vmem>>) semaphore(%arg13 : memref<!tpu.dma_semaphore, #tpu.memory_space<semaphore_mem>>)
      } else {
      }
      %dma_wait3A = arith.constant 0 : i32
      %dma_wait3A_84 = tpu.memref_slice %arg9[%mul3A_8, %dma_wait3A] : memref<320x128xf32, #tpu.memory_space<vmem>> -> memref<80x128xf32, #tpu.memory_space<vmem>>
      %dma_wait3A_85 = tpu.memref_slice %arg6[%mul3A_5] : memref<10000xi32, #tpu.memory_space<vmem>> -> memref<80xi32, #tpu.memory_space<vmem>>
      %dma_wait3A_86 = arith.constant 0 : i32
      %dma_wait3A_87 = arith.constant 0 : i32
      %dma_wait3A_88 = tpu.memref_slice %arg2[%dma_wait3A_86, %dma_wait3A_87] : memref<10000x128xf32, #tpu.memory_space<hbm>> -> memref<10000x128xf32, #tpu.memory_space<hbm>>
      tpu.wait_indirect_dma semaphore(%arg12 : memref<!tpu.dma_semaphore, #tpu.memory_space<semaphore_mem>>) src(%dma_wait3A_88 : memref<10000x128xf32, #tpu.memory_space<hbm>>) dst(%dma_wait3A_84 : memref<80x128xf32, #tpu.memory_space<vmem>>)
      %dma_wait3A_89 = arith.constant 0 : i32
      %dma_wait3A_90 = tpu.memref_slice %arg10[%mul3A_19, %dma_wait3A_89] : memref<320x128xf32, #tpu.memory_space<vmem>> -> memref<80x128xf32, #tpu.memory_space<vmem>>
      %dma_wait3A_91 = tpu.memref_slice %arg7[%mul3A_16] : memref<10000xi32, #tpu.memory_space<vmem>> -> memref<80xi32, #tpu.memory_space<vmem>>
      %dma_wait3A_92 = arith.constant 0 : i32
      %dma_wait3A_93 = arith.constant 0 : i32
      %dma_wait3A_94 = tpu.memref_slice %arg2[%dma_wait3A_92, %dma_wait3A_93] : memref<10000x128xf32, #tpu.memory_space<hbm>> -> memref<10000x128xf32, #tpu.memory_space<hbm>>
      tpu.wait_indirect_dma semaphore(%arg13 : memref<!tpu.dma_semaphore, #tpu.memory_space<semaphore_mem>>) src(%dma_wait3A_94 : memref<10000x128xf32, #tpu.memory_space<hbm>>) dst(%dma_wait3A_90 : memref<80x128xf32, #tpu.memory_space<vmem>>)
      %mul3A_95 = arith.constant 80 : i32
      %mul3A_96 = arith.muli %rem3A_79, %mul3A_95 : i32
      %parallel_loop3A = arith.constant 0 : i32
      %parallel_loop3A_97 = arith.constant 80 : i32
      %parallel_loop3A_98 = arith.constant 1 : i32
      scf.for %parallel_loop3A_599 = %parallel_loop3A to %parallel_loop3A_97 step %parallel_loop3A_98  : i32 {
        %parallel_loop3A_600 = arith.addi %mul3A_96, %parallel_loop3A_599 : i32
        %parallel_loop3A_601 = arith.index_cast %parallel_loop3A_600 : i32 to index
        %parallel_loop3A_602 = arith.constant 0 : index
        %parallel_loop3A_603 = tpu.vector_load %arg9[%parallel_loop3A_601, %parallel_loop3A_602] {strides = array<i32>} : memref<320x128xf32, #tpu.memory_space<vmem>>, vector<16xf32>,
        %parallel_loop3A_604 = arith.addi %mul3A_96, %parallel_loop3A_599 : i32
        %parallel_loop3A_605 = arith.index_cast %parallel_loop3A_604 : i32 to index
        %parallel_loop3A_606 = arith.constant 0 : index
        %parallel_loop3A_607 = tpu.vector_load %arg10[%parallel_loop3A_605, %parallel_loop3A_606] {strides = array<i32>} : memref<320x128xf32, #tpu.memory_space<vmem>>, vector<16xf32>,
        %parallel_loop3A_608 = arith.mulf %parallel_loop3A_603, %parallel_loop3A_607 : vector<16xf32>
        %parallel_loop3A_609 = arith.addi %mul3A_96, %parallel_loop3A_599 : i32
        %parallel_loop3A_610 = arith.index_cast %parallel_loop3A_609 : i32 to index
        %parallel_loop3A_611 = arith.constant 16 : index
        %parallel_loop3A_612 = tpu.vector_load %arg9[%parallel_loop3A_610, %parallel_loop3A_611] {strides = array<i32>} : memref<320x128xf32, #tpu.memory_space<vmem>>, vector<16xf32>,
        %parallel_loop3A_613 = arith.addi %mul3A_96, %parallel_loop3A_599 : i32
        %parallel_loop3A_614 = arith.index_cast %parallel_loop3A_613 : i32 to index
        %parallel_loop3A_615 = arith.constant 16 : index
        %parallel_loop3A_616 = tpu.vector_load %arg10[%parallel_loop3A_614, %parallel_loop3A_615] {strides = array<i32>} : memref<320x128xf32, #tpu.memory_space<vmem>>, vector<16xf32>,
        %parallel_loop3A_617 = arith.mulf %parallel_loop3A_612, %parallel_loop3A_616 : vector<16xf32>
        %parallel_loop3A_618 = arith.addi %mul3A_96, %parallel_loop3A_599 : i32
        %parallel_loop3A_619 = arith.index_cast %parallel_loop3A_618 : i32 to index
        %parallel_loop3A_620 = arith.constant 32 : index
        %parallel_loop3A_621 = tpu.vector_load %arg9[%parallel_loop3A_619, %parallel_loop3A_620] {strides = array<i32>} : memref<320x128xf32, #tpu.memory_space<vmem>>, vector<16xf32>,
        %parallel_loop3A_622 = arith.addi %mul3A_96, %parallel_loop3A_599 : i32
        %parallel_loop3A_623 = arith.index_cast %parallel_loop3A_622 : i32 to index
        %parallel_loop3A_624 = arith.constant 32 : index
        %parallel_loop3A_625 = tpu.vector_load %arg10[%parallel_loop3A_623, %parallel_loop3A_624] {strides = array<i32>} : memref<320x128xf32, #tpu.memory_space<vmem>>, vector<16xf32>,
        %parallel_loop3A_626 = arith.mulf %parallel_loop3A_621, %parallel_loop3A_625 : vector<16xf32>
        %parallel_loop3A_627 = arith.addf %parallel_loop3A_608, %parallel_loop3A_626 : vector<16xf32>
        %parallel_loop3A_628 = arith.addi %mul3A_96, %parallel_loop3A_599 : i32
        %parallel_loop3A_629 = arith.index_cast %parallel_loop3A_628 : i32 to index
        %parallel_loop3A_630 = arith.constant 48 : index
        %parallel_loop3A_631 = tpu.vector_load %arg9[%parallel_loop3A_629, %parallel_loop3A_630] {strides = array<i32>} : memref<320x128xf32, #tpu.memory_space<vmem>>, vector<16xf32>,
        %parallel_loop3A_632 = arith.addi %mul3A_96, %parallel_loop3A_599 : i32
        %parallel_loop3A_633 = arith.index_cast %parallel_loop3A_632 : i32 to index
        %parallel_loop3A_634 = arith.constant 48 : index
        %parallel_loop3A_635 = tpu.vector_load %arg10[%parallel_loop3A_633, %parallel_loop3A_634] {strides = array<i32>} : memref<320x128xf32, #tpu.memory_space<vmem>>, vector<16xf32>,
        %parallel_loop3A_636 = arith.mulf %parallel_loop3A_631, %parallel_loop3A_635 : vector<16xf32>
        %parallel_loop3A_637 = arith.addf %parallel_loop3A_617, %parallel_loop3A_636 : vector<16xf32>
        %parallel_loop3A_638 = arith.addi %mul3A_96, %parallel_loop3A_599 : i32
        %parallel_loop3A_639 = arith.index_cast %parallel_loop3A_638 : i32 to index
        %parallel_loop3A_640 = arith.constant 64 : index
        %parallel_loop3A_641 = tpu.vector_load %arg9[%parallel_loop3A_639, %parallel_loop3A_640] {strides = array<i32>} : memref<320x128xf32, #tpu.memory_space<vmem>>, vector<16xf32>,
        %parallel_loop3A_642 = arith.addi %mul3A_96, %parallel_loop3A_599 : i32
        %parallel_loop3A_643 = arith.index_cast %parallel_loop3A_642 : i32 to index
        %parallel_loop3A_644 = arith.constant 64 : index
        %parallel_loop3A_645 = tpu.vector_load %arg10[%parallel_loop3A_643, %parallel_loop3A_644] {strides = array<i32>} : memref<320x128xf32, #tpu.memory_space<vmem>>, vector<16xf32>,
        %parallel_loop3A_646 = arith.mulf %parallel_loop3A_641, %parallel_loop3A_645 : vector<16xf32>
        %parallel_loop3A_647 = arith.addf %parallel_loop3A_627, %parallel_loop3A_646 : vector<16xf32>
        %parallel_loop3A_648 = arith.addi %mul3A_96, %parallel_loop3A_599 : i32
        %parallel_loop3A_649 = arith.index_cast %parallel_loop3A_648 : i32 to index
        %parallel_loop3A_650 = arith.constant 80 : index
        %parallel_loop3A_651 = tpu.vector_load %arg9[%parallel_loop3A_649, %parallel_loop3A_650] {strides = array<i32>} : memref<320x128xf32, #tpu.memory_space<vmem>>, vector<16xf32>,
        %parallel_loop3A_652 = arith.addi %mul3A_96, %parallel_loop3A_599 : i32
        %parallel_loop3A_653 = arith.index_cast %parallel_loop3A_652 : i32 to index
        %parallel_loop3A_654 = arith.constant 80 : index
        %parallel_loop3A_655 = tpu.vector_load %arg10[%parallel_loop3A_653, %parallel_loop3A_654] {strides = array<i32>} : memref<320x128xf32, #tpu.memory_space<vmem>>, vector<16xf32>,
        %parallel_loop3A_656 = arith.mulf %parallel_loop3A_651, %parallel_loop3A_655 : vector<16xf32>
        %parallel_loop3A_657 = arith.addf %parallel_loop3A_637, %parallel_loop3A_656 : vector<16xf32>
        %parallel_loop3A_658 = arith.addi %mul3A_96, %parallel_loop3A_599 : i32
        %parallel_loop3A_659 = arith.index_cast %parallel_loop3A_658 : i32 to index
        %parallel_loop3A_660 = arith.constant 96 : index
        %parallel_loop3A_661 = tpu.vector_load %arg9[%parallel_loop3A_659, %parallel_loop3A_660] {strides = array<i32>} : memref<320x128xf32, #tpu.memory_space<vmem>>, vector<16xf32>,
        %parallel_loop3A_662 = arith.addi %mul3A_96, %parallel_loop3A_599 : i32
        %parallel_loop3A_663 = arith.index_cast %parallel_loop3A_662 : i32 to index
        %parallel_loop3A_664 = arith.constant 96 : index
        %parallel_loop3A_665 = tpu.vector_load %arg10[%parallel_loop3A_663, %parallel_loop3A_664] {strides = array<i32>} : memref<320x128xf32, #tpu.memory_space<vmem>>, vector<16xf32>,
        %parallel_loop3A_666 = arith.mulf %parallel_loop3A_661, %parallel_loop3A_665 : vector<16xf32>
        %parallel_loop3A_667 = arith.addf %parallel_loop3A_647, %parallel_loop3A_666 : vector<16xf32>
        %parallel_loop3A_668 = arith.addi %mul3A_96, %parallel_loop3A_599 : i32
        %parallel_loop3A_669 = arith.index_cast %parallel_loop3A_668 : i32 to index
        %parallel_loop3A_670 = arith.constant 112 : index
        %parallel_loop3A_671 = tpu.vector_load %arg9[%parallel_loop3A_669, %parallel_loop3A_670] {strides = array<i32>} : memref<320x128xf32, #tpu.memory_space<vmem>>, vector<16xf32>,
        %parallel_loop3A_672 = arith.addi %mul3A_96, %parallel_loop3A_599 : i32
        %parallel_loop3A_673 = arith.index_cast %parallel_loop3A_672 : i32 to index
        %parallel_loop3A_674 = arith.constant 112 : index
        %parallel_loop3A_675 = tpu.vector_load %arg10[%parallel_loop3A_673, %parallel_loop3A_674] {strides = array<i32>} : memref<320x128xf32, #tpu.memory_space<vmem>>, vector<16xf32>,
        %parallel_loop3A_676 = arith.mulf %parallel_loop3A_671, %parallel_loop3A_675 : vector<16xf32>
        %parallel_loop3A_677 = arith.addf %parallel_loop3A_657, %parallel_loop3A_676 : vector<16xf32>
        %parallel_loop3A_678 = arith.addf %parallel_loop3A_667, %parallel_loop3A_677 : vector<16xf32>
        %parallel_loop3A_679 = arith.constant 16 : i32
        %parallel_loop3A_680 = arith.muli %parallel_loop3A_599, %parallel_loop3A_679 : i32
        %parallel_loop3A_681 = arith.index_cast %parallel_loop3A_680 : i32 to index
        %parallel_loop3A_682 = tpu.vector_load %arg11[%parallel_loop3A_681] {strides = array<i32>} : memref<1280xf32, #tpu.memory_space<vmem>>, vector<16xf32>,
        tpu.vector_store %arg11[%parallel_loop3A_681], %parallel_loop3A_678 {strides = array<i32>} : memref<1280xf32, #tpu.memory_space<vmem>>, vector<16xf32>,
      } {sc.loop_unroll_factor = 4 : i64, sc.parallel_access}
      %add3A_99 = arith.constant 0 : i32
      %add3A_100 = vector.broadcast %add3A_99 : i32 to vector<16xi32>
      %add3A_101 = arith.addi %iota3A, %add3A_100 : vector<16xi32>
      %mul3A_102 = arith.constant 16 : i32
      %mul3A_103 = vector.broadcast %mul3A_102 : i32 to vector<16xi32>
      %mul3A_104 = arith.muli %add3A_101, %mul3A_103 : vector<16xi32>
      %add3A_105 = arith.constant 0 : i32
      %add3A_106 = vector.broadcast %add3A_105 : i32 to vector<16xi32>
      %add3A_107 = arith.addi %mul3A_104, %add3A_106 : vector<16xi32>
      %gather3A = tpu.vector_load_idx %arg11[%add3A_107] : memref<1280xf32, #tpu.memory_space<vmem>>[vector<16xi32>], vector<16xf32>,
      %add3A_108 = arith.constant 1 : i32
      %add3A_109 = vector.broadcast %add3A_108 : i32 to vector<16xi32>
      %add3A_110 = arith.addi %mul3A_104, %add3A_109 : vector<16xi32>
      %gather3A_111 = tpu.vector_load_idx %arg11[%add3A_110] : memref<1280xf32, #tpu.memory_space<vmem>>[vector<16xi32>], vector<16xf32>,
      %add3A_112 = arith.constant 2 : i32
      %add3A_113 = vector.broadcast %add3A_112 : i32 to vector<16xi32>
      %add3A_114 = arith.addi %mul3A_104, %add3A_113 : vector<16xi32>
      %gather3A_115 = tpu.vector_load_idx %arg11[%add3A_114] : memref<1280xf32, #tpu.memory_space<vmem>>[vector<16xi32>], vector<16xf32>,
      %add3A_116 = arith.constant 3 : i32
      %add3A_117 = vector.broadcast %add3A_116 : i32 to vector<16xi32>
      %add3A_118 = arith.addi %mul3A_104, %add3A_117 : vector<16xi32>
      %gather3A_119 = tpu.vector_load_idx %arg11[%add3A_118] : memref<1280xf32, #tpu.memory_space<vmem>>[vector<16xi32>], vector<16xf32>,
      %add3A_120 = arith.constant 4 : i32
      %add3A_121 = vector.broadcast %add3A_120 : i32 to vector<16xi32>
      %add3A_122 = arith.addi %mul3A_104, %add3A_121 : vector<16xi32>
      %gather3A_123 = tpu.vector_load_idx %arg11[%add3A_122] : memref<1280xf32, #tpu.memory_space<vmem>>[vector<16xi32>], vector<16xf32>,
      %add3A_124 = arith.constant 5 : i32
      %add3A_125 = vector.broadcast %add3A_124 : i32 to vector<16xi32>
      %add3A_126 = arith.addi %mul3A_104, %add3A_125 : vector<16xi32>
      %gather3A_127 = tpu.vector_load_idx %arg11[%add3A_126] : memref<1280xf32, #tpu.memory_space<vmem>>[vector<16xi32>], vector<16xf32>,
      %add3A_128 = arith.constant 6 : i32
      %add3A_129 = vector.broadcast %add3A_128 : i32 to vector<16xi32>
      %add3A_130 = arith.addi %mul3A_104, %add3A_129 : vector<16xi32>
      %gather3A_131 = tpu.vector_load_idx %arg11[%add3A_130] : memref<1280xf32, #tpu.memory_space<vmem>>[vector<16xi32>], vector<16xf32>,
      %add3A_132 = arith.constant 7 : i32
      %add3A_133 = vector.broadcast %add3A_132 : i32 to vector<16xi32>
      %add3A_134 = arith.addi %mul3A_104, %add3A_133 : vector<16xi32>
      %gather3A_135 = tpu.vector_load_idx %arg11[%add3A_134] : memref<1280xf32, #tpu.memory_space<vmem>>[vector<16xi32>], vector<16xf32>,
      %add3A_136 = arith.constant 8 : i32
      %add3A_137 = vector.broadcast %add3A_136 : i32 to vector<16xi32>
      %add3A_138 = arith.addi %mul3A_104, %add3A_137 : vector<16xi32>
      %gather3A_139 = tpu.vector_load_idx %arg11[%add3A_138] : memref<1280xf32, #tpu.memory_space<vmem>>[vector<16xi32>], vector<16xf32>,
      %add3A_140 = arith.constant 9 : i32
      %add3A_141 = vector.broadcast %add3A_140 : i32 to vector<16xi32>
      %add3A_142 = arith.addi %mul3A_104, %add3A_141 : vector<16xi32>
      %gather3A_143 = tpu.vector_load_idx %arg11[%add3A_142] : memref<1280xf32, #tpu.memory_space<vmem>>[vector<16xi32>], vector<16xf32>,
      %add3A_144 = arith.constant 10 : i32
      %add3A_145 = vector.broadcast %add3A_144 : i32 to vector<16xi32>
      %add3A_146 = arith.addi %mul3A_104, %add3A_145 : vector<16xi32>
      %gather3A_147 = tpu.vector_load_idx %arg11[%add3A_146] : memref<1280xf32, #tpu.memory_space<vmem>>[vector<16xi32>], vector<16xf32>,
      %add3A_148 = arith.constant 11 : i32
      %add3A_149 = vector.broadcast %add3A_148 : i32 to vector<16xi32>
      %add3A_150 = arith.addi %mul3A_104, %add3A_149 : vector<16xi32>
      %gather3A_151 = tpu.vector_load_idx %arg11[%add3A_150] : memref<1280xf32, #tpu.memory_space<vmem>>[vector<16xi32>], vector<16xf32>,
      %add3A_152 = arith.constant 12 : i32
      %add3A_153 = vector.broadcast %add3A_152 : i32 to vector<16xi32>
      %add3A_154 = arith.addi %mul3A_104, %add3A_153 : vector<16xi32>
      %gather3A_155 = tpu.vector_load_idx %arg11[%add3A_154] : memref<1280xf32, #tpu.memory_space<vmem>>[vector<16xi32>], vector<16xf32>,
      %add3A_156 = arith.constant 13 : i32
      %add3A_157 = vector.broadcast %add3A_156 : i32 to vector<16xi32>
      %add3A_158 = arith.addi %mul3A_104, %add3A_157 : vector<16xi32>
      %gather3A_159 = tpu.vector_load_idx %arg11[%add3A_158] : memref<1280xf32, #tpu.memory_space<vmem>>[vector<16xi32>], vector<16xf32>,
      %add3A_160 = arith.constant 14 : i32
      %add3A_161 = vector.broadcast %add3A_160 : i32 to vector<16xi32>
      %add3A_162 = arith.addi %mul3A_104, %add3A_161 : vector<16xi32>
      %gather3A_163 = tpu.vector_load_idx %arg11[%add3A_162] : memref<1280xf32, #tpu.memory_space<vmem>>[vector<16xi32>], vector<16xf32>,
      %add3A_164 = arith.constant 15 : i32
      %add3A_165 = vector.broadcast %add3A_164 : i32 to vector<16xi32>
      %add3A_166 = arith.addi %mul3A_104, %add3A_165 : vector<16xi32>
      %gather3A_167 = tpu.vector_load_idx %arg11[%add3A_166] : memref<1280xf32, #tpu.memory_space<vmem>>[vector<16xi32>], vector<16xf32>,
      %add3A_168 = arith.addf %gather3A, %gather3A_111 : vector<16xf32>
      %add3A_169 = arith.addf %gather3A_115, %gather3A_119 : vector<16xf32>
      %add3A_170 = arith.addf %gather3A_123, %gather3A_127 : vector<16xf32>
      %add3A_171 = arith.addf %gather3A_131, %gather3A_135 : vector<16xf32>
      %add3A_172 = arith.addf %gather3A_139, %gather3A_143 : vector<16xf32>
      %add3A_173 = arith.addf %gather3A_147, %gather3A_151 : vector<16xf32>
      %add3A_174 = arith.addf %gather3A_155, %gather3A_159 : vector<16xf32>
      %add3A_175 = arith.addf %gather3A_163, %gather3A_167 : vector<16xf32>
      %add3A_176 = arith.addf %add3A_168, %add3A_169 : vector<16xf32>
      %add3A_177 = arith.addf %add3A_170, %add3A_171 : vector<16xf32>
      %add3A_178 = arith.addf %add3A_172, %add3A_173 : vector<16xf32>
      %add3A_179 = arith.addf %add3A_174, %add3A_175 : vector<16xf32>
      %add3A_180 = arith.addf %add3A_176, %add3A_177 : vector<16xf32>
      %add3A_181 = arith.addf %add3A_178, %add3A_179 : vector<16xf32>
      %add3A_182 = arith.addf %add3A_180, %add3A_181 : vector<16xf32>
      %neg3A = arith.constant 0.000000e+00 : f32
      %neg3A_183 = vector.broadcast %neg3A : f32 to vector<16xf32>
      %neg3A_184 = arith.subf %neg3A_183, %add3A_182 : vector<16xf32>
      %exp3A = math.exp %neg3A_184 : vector<16xf32>
      %add3A_185 = arith.constant 1.000000e+00 : f32
      %add3A_186 = vector.broadcast %add3A_185 : f32 to vector<16xf32>
      %add3A_187 = arith.addf %add3A_186, %exp3A : vector<16xf32>
      %div3A = arith.constant 1.000000e+00 : f32
      %div3A_188 = vector.broadcast %div3A : f32 to vector<16xf32>
      %div3A_189 = arith.divf %div3A_188, %add3A_187 : vector<16xf32>
      %mul3A_190 = arith.constant 80 : i32
      %mul3A_191 = arith.muli %scan3A_78, %mul3A_190 : i32
      %add3A_192 = arith.constant 0 : i32
      %add3A_193 = arith.addi %mul3A_191, %add3A_192 : i32
      %swap3A = arith.index_cast %add3A_193 : i32 to index
      %swap3A_194 = tpu.vector_load %arg8[%swap3A] {strides = array<i32>} : memref<10000xf32, #tpu.memory_space<vmem>>, vector<16xf32>,
      tpu.vector_store %arg8[%swap3A], %div3A_189 {strides = array<i32>} : memref<10000xf32, #tpu.memory_space<vmem>>, vector<16xf32>,
      %add3A_195 = arith.constant 16 : i32
      %add3A_196 = vector.broadcast %add3A_195 : i32 to vector<16xi32>
      %add3A_197 = arith.addi %iota3A, %add3A_196 : vector<16xi32>
      %mul3A_198 = arith.constant 16 : i32
      %mul3A_199 = vector.broadcast %mul3A_198 : i32 to vector<16xi32>
      %mul3A_200 = arith.muli %add3A_197, %mul3A_199 : vector<16xi32>
      %add3A_201 = arith.constant 0 : i32
      %add3A_202 = vector.broadcast %add3A_201 : i32 to vector<16xi32>
      %add3A_203 = arith.addi %mul3A_200, %add3A_202 : vector<16xi32>
      %gather3A_204 = tpu.vector_load_idx %arg11[%add3A_203] : memref<1280xf32, #tpu.memory_space<vmem>>[vector<16xi32>], vector<16xf32>,
      %add3A_205 = arith.constant 1 : i32
      %add3A_206 = vector.broadcast %add3A_205 : i32 to vector<16xi32>
      %add3A_207 = arith.addi %mul3A_200, %add3A_206 : vector<16xi32>
      %gather3A_208 = tpu.vector_load_idx %arg11[%add3A_207] : memref<1280xf32, #tpu.memory_space<vmem>>[vector<16xi32>], vector<16xf32>,
      %add3A_209 = arith.constant 2 : i32
      %add3A_210 = vector.broadcast %add3A_209 : i32 to vector<16xi32>
      %add3A_211 = arith.addi %mul3A_200, %add3A_210 : vector<16xi32>
      %gather3A_212 = tpu.vector_load_idx %arg11[%add3A_211] : memref<1280xf32, #tpu.memory_space<vmem>>[vector<16xi32>], vector<16xf32>,
      %add3A_213 = arith.constant 3 : i32
      %add3A_214 = vector.broadcast %add3A_213 : i32 to vector<16xi32>
      %add3A_215 = arith.addi %mul3A_200, %add3A_214 : vector<16xi32>
      %gather3A_216 = tpu.vector_load_idx %arg11[%add3A_215] : memref<1280xf32, #tpu.memory_space<vmem>>[vector<16xi32>], vector<16xf32>,
      %add3A_217 = arith.constant 4 : i32
      %add3A_218 = vector.broadcast %add3A_217 : i32 to vector<16xi32>
      %add3A_219 = arith.addi %mul3A_200, %add3A_218 : vector<16xi32>
      %gather3A_220 = tpu.vector_load_idx %arg11[%add3A_219] : memref<1280xf32, #tpu.memory_space<vmem>>[vector<16xi32>], vector<16xf32>,
      %add3A_221 = arith.constant 5 : i32
      %add3A_222 = vector.broadcast %add3A_221 : i32 to vector<16xi32>
      %add3A_223 = arith.addi %mul3A_200, %add3A_222 : vector<16xi32>
      %gather3A_224 = tpu.vector_load_idx %arg11[%add3A_223] : memref<1280xf32, #tpu.memory_space<vmem>>[vector<16xi32>], vector<16xf32>,
      %add3A_225 = arith.constant 6 : i32
      %add3A_226 = vector.broadcast %add3A_225 : i32 to vector<16xi32>
      %add3A_227 = arith.addi %mul3A_200, %add3A_226 : vector<16xi32>
      %gather3A_228 = tpu.vector_load_idx %arg11[%add3A_227] : memref<1280xf32, #tpu.memory_space<vmem>>[vector<16xi32>], vector<16xf32>,
      %add3A_229 = arith.constant 7 : i32
      %add3A_230 = vector.broadcast %add3A_229 : i32 to vector<16xi32>
      %add3A_231 = arith.addi %mul3A_200, %add3A_230 : vector<16xi32>
      %gather3A_232 = tpu.vector_load_idx %arg11[%add3A_231] : memref<1280xf32, #tpu.memory_space<vmem>>[vector<16xi32>], vector<16xf32>,
      %add3A_233 = arith.constant 8 : i32
      %add3A_234 = vector.broadcast %add3A_233 : i32 to vector<16xi32>
      %add3A_235 = arith.addi %mul3A_200, %add3A_234 : vector<16xi32>
      %gather3A_236 = tpu.vector_load_idx %arg11[%add3A_235] : memref<1280xf32, #tpu.memory_space<vmem>>[vector<16xi32>], vector<16xf32>,
      %add3A_237 = arith.constant 9 : i32
      %add3A_238 = vector.broadcast %add3A_237 : i32 to vector<16xi32>
      %add3A_239 = arith.addi %mul3A_200, %add3A_238 : vector<16xi32>
      %gather3A_240 = tpu.vector_load_idx %arg11[%add3A_239] : memref<1280xf32, #tpu.memory_space<vmem>>[vector<16xi32>], vector<16xf32>,
      %add3A_241 = arith.constant 10 : i32
      %add3A_242 = vector.broadcast %add3A_241 : i32 to vector<16xi32>
      %add3A_243 = arith.addi %mul3A_200, %add3A_242 : vector<16xi32>
      %gather3A_244 = tpu.vector_load_idx %arg11[%add3A_243] : memref<1280xf32, #tpu.memory_space<vmem>>[vector<16xi32>], vector<16xf32>,
      %add3A_245 = arith.constant 11 : i32
      %add3A_246 = vector.broadcast %add3A_245 : i32 to vector<16xi32>
      %add3A_247 = arith.addi %mul3A_200, %add3A_246 : vector<16xi32>
      %gather3A_248 = tpu.vector_load_idx %arg11[%add3A_247] : memref<1280xf32, #tpu.memory_space<vmem>>[vector<16xi32>], vector<16xf32>,
      %add3A_249 = arith.constant 12 : i32
      %add3A_250 = vector.broadcast %add3A_249 : i32 to vector<16xi32>
      %add3A_251 = arith.addi %mul3A_200, %add3A_250 : vector<16xi32>
      %gather3A_252 = tpu.vector_load_idx %arg11[%add3A_251] : memref<1280xf32, #tpu.memory_space<vmem>>[vector<16xi32>], vector<16xf32>,
      %add3A_253 = arith.constant 13 : i32
      %add3A_254 = vector.broadcast %add3A_253 : i32 to vector<16xi32>
      %add3A_255 = arith.addi %mul3A_200, %add3A_254 : vector<16xi32>
      %gather3A_256 = tpu.vector_load_idx %arg11[%add3A_255] : memref<1280xf32, #tpu.memory_space<vmem>>[vector<16xi32>], vector<16xf32>,
      %add3A_257 = arith.constant 14 : i32
      %add3A_258 = vector.broadcast %add3A_257 : i32 to vector<16xi32>
      %add3A_259 = arith.addi %mul3A_200, %add3A_258 : vector<16xi32>
      %gather3A_260 = tpu.vector_load_idx %arg11[%add3A_259] : memref<1280xf32, #tpu.memory_space<vmem>>[vector<16xi32>], vector<16xf32>,
      %add3A_261 = arith.constant 15 : i32
      %add3A_262 = vector.broadcast %add3A_261 : i32 to vector<16xi32>
      %add3A_263 = arith.addi %mul3A_200, %add3A_262 : vector<16xi32>
      %gather3A_264 = tpu.vector_load_idx %arg11[%add3A_263] : memref<1280xf32, #tpu.memory_space<vmem>>[vector<16xi32>], vector<16xf32>,
      %add3A_265 = arith.addf %gather3A_204, %gather3A_208 : vector<16xf32>
      %add3A_266 = arith.addf %gather3A_212, %gather3A_216 : vector<16xf32>
      %add3A_267 = arith.addf %gather3A_220, %gather3A_224 : vector<16xf32>
      %add3A_268 = arith.addf %gather3A_228, %gather3A_232 : vector<16xf32>
      %add3A_269 = arith.addf %gather3A_236, %gather3A_240 : vector<16xf32>
      %add3A_270 = arith.addf %gather3A_244, %gather3A_248 : vector<16xf32>
      %add3A_271 = arith.addf %gather3A_252, %gather3A_256 : vector<16xf32>
      %add3A_272 = arith.addf %gather3A_260, %gather3A_264 : vector<16xf32>
      %add3A_273 = arith.addf %add3A_265, %add3A_266 : vector<16xf32>
      %add3A_274 = arith.addf %add3A_267, %add3A_268 : vector<16xf32>
      %add3A_275 = arith.addf %add3A_269, %add3A_270 : vector<16xf32>
      %add3A_276 = arith.addf %add3A_271, %add3A_272 : vector<16xf32>
      %add3A_277 = arith.addf %add3A_273, %add3A_274 : vector<16xf32>
      %add3A_278 = arith.addf %add3A_275, %add3A_276 : vector<16xf32>
      %add3A_279 = arith.addf %add3A_277, %add3A_278 : vector<16xf32>
      %neg3A_280 = arith.constant 0.000000e+00 : f32
      %neg3A_281 = vector.broadcast %neg3A_280 : f32 to vector<16xf32>
      %neg3A_282 = arith.subf %neg3A_281, %add3A_279 : vector<16xf32>
      %exp3A_283 = math.exp %neg3A_282 : vector<16xf32>
      %add3A_284 = arith.constant 1.000000e+00 : f32
      %add3A_285 = vector.broadcast %add3A_284 : f32 to vector<16xf32>
      %add3A_286 = arith.addf %add3A_285, %exp3A_283 : vector<16xf32>
      %div3A_287 = arith.constant 1.000000e+00 : f32
      %div3A_288 = vector.broadcast %div3A_287 : f32 to vector<16xf32>
      %div3A_289 = arith.divf %div3A_288, %add3A_286 : vector<16xf32>
      %mul3A_290 = arith.constant 80 : i32
      %mul3A_291 = arith.muli %scan3A_78, %mul3A_290 : i32
      %add3A_292 = arith.constant 16 : i32
      %add3A_293 = arith.addi %mul3A_291, %add3A_292 : i32
      %swap3A_294 = arith.index_cast %add3A_293 : i32 to index
      %swap3A_295 = tpu.vector_load %arg8[%swap3A_294] {strides = array<i32>} : memref<10000xf32, #tpu.memory_space<vmem>>, vector<16xf32>,
      tpu.vector_store %arg8[%swap3A_294], %div3A_289 {strides = array<i32>} : memref<10000xf32, #tpu.memory_space<vmem>>, vector<16xf32>,
      %add3A_296 = arith.constant 32 : i32
      %add3A_297 = vector.broadcast %add3A_296 : i32 to vector<16xi32>
      %add3A_298 = arith.addi %iota3A, %add3A_297 : vector<16xi32>
      %mul3A_299 = arith.constant 16 : i32
      %mul3A_300 = vector.broadcast %mul3A_299 : i32 to vector<16xi32>
      %mul3A_301 = arith.muli %add3A_298, %mul3A_300 : vector<16xi32>
      %add3A_302 = arith.constant 0 : i32
      %add3A_303 = vector.broadcast %add3A_302 : i32 to vector<16xi32>
      %add3A_304 = arith.addi %mul3A_301, %add3A_303 : vector<16xi32>
      %gather3A_305 = tpu.vector_load_idx %arg11[%add3A_304] : memref<1280xf32, #tpu.memory_space<vmem>>[vector<16xi32>], vector<16xf32>,
      %add3A_306 = arith.constant 1 : i32
      %add3A_307 = vector.broadcast %add3A_306 : i32 to vector<16xi32>
      %add3A_308 = arith.addi %mul3A_301, %add3A_307 : vector<16xi32>
      %gather3A_309 = tpu.vector_load_idx %arg11[%add3A_308] : memref<1280xf32, #tpu.memory_space<vmem>>[vector<16xi32>], vector<16xf32>,
      %add3A_310 = arith.constant 2 : i32
      %add3A_311 = vector.broadcast %add3A_310 : i32 to vector<16xi32>
      %add3A_312 = arith.addi %mul3A_301, %add3A_311 : vector<16xi32>
      %gather3A_313 = tpu.vector_load_idx %arg11[%add3A_312] : memref<1280xf32, #tpu.memory_space<vmem>>[vector<16xi32>], vector<16xf32>,
      %add3A_314 = arith.constant 3 : i32
      %add3A_315 = vector.broadcast %add3A_314 : i32 to vector<16xi32>
      %add3A_316 = arith.addi %mul3A_301, %add3A_315 : vector<16xi32>
      %gather3A_317 = tpu.vector_load_idx %arg11[%add3A_316] : memref<1280xf32, #tpu.memory_space<vmem>>[vector<16xi32>], vector<16xf32>,
      %add3A_318 = arith.constant 4 : i32
      %add3A_319 = vector.broadcast %add3A_318 : i32 to vector<16xi32>
      %add3A_320 = arith.addi %mul3A_301, %add3A_319 : vector<16xi32>
      %gather3A_321 = tpu.vector_load_idx %arg11[%add3A_320] : memref<1280xf32, #tpu.memory_space<vmem>>[vector<16xi32>], vector<16xf32>,
      %add3A_322 = arith.constant 5 : i32
      %add3A_323 = vector.broadcast %add3A_322 : i32 to vector<16xi32>
      %add3A_324 = arith.addi %mul3A_301, %add3A_323 : vector<16xi32>
      %gather3A_325 = tpu.vector_load_idx %arg11[%add3A_324] : memref<1280xf32, #tpu.memory_space<vmem>>[vector<16xi32>], vector<16xf32>,
      %add3A_326 = arith.constant 6 : i32
      %add3A_327 = vector.broadcast %add3A_326 : i32 to vector<16xi32>
      %add3A_328 = arith.addi %mul3A_301, %add3A_327 : vector<16xi32>
      %gather3A_329 = tpu.vector_load_idx %arg11[%add3A_328] : memref<1280xf32, #tpu.memory_space<vmem>>[vector<16xi32>], vector<16xf32>,
      %add3A_330 = arith.constant 7 : i32
      %add3A_331 = vector.broadcast %add3A_330 : i32 to vector<16xi32>
      %add3A_332 = arith.addi %mul3A_301, %add3A_331 : vector<16xi32>
      %gather3A_333 = tpu.vector_load_idx %arg11[%add3A_332] : memref<1280xf32, #tpu.memory_space<vmem>>[vector<16xi32>], vector<16xf32>,
      %add3A_334 = arith.constant 8 : i32
      %add3A_335 = vector.broadcast %add3A_334 : i32 to vector<16xi32>
      %add3A_336 = arith.addi %mul3A_301, %add3A_335 : vector<16xi32>
      %gather3A_337 = tpu.vector_load_idx %arg11[%add3A_336] : memref<1280xf32, #tpu.memory_space<vmem>>[vector<16xi32>], vector<16xf32>,
      %add3A_338 = arith.constant 9 : i32
      %add3A_339 = vector.broadcast %add3A_338 : i32 to vector<16xi32>
      %add3A_340 = arith.addi %mul3A_301, %add3A_339 : vector<16xi32>
      %gather3A_341 = tpu.vector_load_idx %arg11[%add3A_340] : memref<1280xf32, #tpu.memory_space<vmem>>[vector<16xi32>], vector<16xf32>,
      %add3A_342 = arith.constant 10 : i32
      %add3A_343 = vector.broadcast %add3A_342 : i32 to vector<16xi32>
      %add3A_344 = arith.addi %mul3A_301, %add3A_343 : vector<16xi32>
      %gather3A_345 = tpu.vector_load_idx %arg11[%add3A_344] : memref<1280xf32, #tpu.memory_space<vmem>>[vector<16xi32>], vector<16xf32>,
      %add3A_346 = arith.constant 11 : i32
      %add3A_347 = vector.broadcast %add3A_346 : i32 to vector<16xi32>
      %add3A_348 = arith.addi %mul3A_301, %add3A_347 : vector<16xi32>
      %gather3A_349 = tpu.vector_load_idx %arg11[%add3A_348] : memref<1280xf32, #tpu.memory_space<vmem>>[vector<16xi32>], vector<16xf32>,
      %add3A_350 = arith.constant 12 : i32
      %add3A_351 = vector.broadcast %add3A_350 : i32 to vector<16xi32>
      %add3A_352 = arith.addi %mul3A_301, %add3A_351 : vector<16xi32>
      %gather3A_353 = tpu.vector_load_idx %arg11[%add3A_352] : memref<1280xf32, #tpu.memory_space<vmem>>[vector<16xi32>], vector<16xf32>,
      %add3A_354 = arith.constant 13 : i32
      %add3A_355 = vector.broadcast %add3A_354 : i32 to vector<16xi32>
      %add3A_356 = arith.addi %mul3A_301, %add3A_355 : vector<16xi32>
      %gather3A_357 = tpu.vector_load_idx %arg11[%add3A_356] : memref<1280xf32, #tpu.memory_space<vmem>>[vector<16xi32>], vector<16xf32>,
      %add3A_358 = arith.constant 14 : i32
      %add3A_359 = vector.broadcast %add3A_358 : i32 to vector<16xi32>
      %add3A_360 = arith.addi %mul3A_301, %add3A_359 : vector<16xi32>
      %gather3A_361 = tpu.vector_load_idx %arg11[%add3A_360] : memref<1280xf32, #tpu.memory_space<vmem>>[vector<16xi32>], vector<16xf32>,
      %add3A_362 = arith.constant 15 : i32
      %add3A_363 = vector.broadcast %add3A_362 : i32 to vector<16xi32>
      %add3A_364 = arith.addi %mul3A_301, %add3A_363 : vector<16xi32>
      %gather3A_365 = tpu.vector_load_idx %arg11[%add3A_364] : memref<1280xf32, #tpu.memory_space<vmem>>[vector<16xi32>], vector<16xf32>,
      %add3A_366 = arith.addf %gather3A_305, %gather3A_309 : vector<16xf32>
      %add3A_367 = arith.addf %gather3A_313, %gather3A_317 : vector<16xf32>
      %add3A_368 = arith.addf %gather3A_321, %gather3A_325 : vector<16xf32>
      %add3A_369 = arith.addf %gather3A_329, %gather3A_333 : vector<16xf32>
      %add3A_370 = arith.addf %gather3A_337, %gather3A_341 : vector<16xf32>
      %add3A_371 = arith.addf %gather3A_345, %gather3A_349 : vector<16xf32>
      %add3A_372 = arith.addf %gather3A_353, %gather3A_357 : vector<16xf32>
      %add3A_373 = arith.addf %gather3A_361, %gather3A_365 : vector<16xf32>
      %add3A_374 = arith.addf %add3A_366, %add3A_367 : vector<16xf32>
      %add3A_375 = arith.addf %add3A_368, %add3A_369 : vector<16xf32>
      %add3A_376 = arith.addf %add3A_370, %add3A_371 : vector<16xf32>
      %add3A_377 = arith.addf %add3A_372, %add3A_373 : vector<16xf32>
      %add3A_378 = arith.addf %add3A_374, %add3A_375 : vector<16xf32>
      %add3A_379 = arith.addf %add3A_376, %add3A_377 : vector<16xf32>
      %add3A_380 = arith.addf %add3A_378, %add3A_379 : vector<16xf32>
      %neg3A_381 = arith.constant 0.000000e+00 : f32
      %neg3A_382 = vector.broadcast %neg3A_381 : f32 to vector<16xf32>
      %neg3A_383 = arith.subf %neg3A_382, %add3A_380 : vector<16xf32>
      %exp3A_384 = math.exp %neg3A_383 : vector<16xf32>
      %add3A_385 = arith.constant 1.000000e+00 : f32
      %add3A_386 = vector.broadcast %add3A_385 : f32 to vector<16xf32>
      %add3A_387 = arith.addf %add3A_386, %exp3A_384 : vector<16xf32>
      %div3A_388 = arith.constant 1.000000e+00 : f32
      %div3A_389 = vector.broadcast %div3A_388 : f32 to vector<16xf32>
      %div3A_390 = arith.divf %div3A_389, %add3A_387 : vector<16xf32>
      %mul3A_391 = arith.constant 80 : i32
      %mul3A_392 = arith.muli %scan3A_78, %mul3A_391 : i32
      %add3A_393 = arith.constant 32 : i32
      %add3A_394 = arith.addi %mul3A_392, %add3A_393 : i32
      %swap3A_395 = arith.index_cast %add3A_394 : i32 to index
      %swap3A_396 = tpu.vector_load %arg8[%swap3A_395] {strides = array<i32>} : memref<10000xf32, #tpu.memory_space<vmem>>, vector<16xf32>,
      tpu.vector_store %arg8[%swap3A_395], %div3A_390 {strides = array<i32>} : memref<10000xf32, #tpu.memory_space<vmem>>, vector<16xf32>,
      %add3A_397 = arith.constant 48 : i32
      %add3A_398 = vector.broadcast %add3A_397 : i32 to vector<16xi32>
      %add3A_399 = arith.addi %iota3A, %add3A_398 : vector<16xi32>
      %mul3A_400 = arith.constant 16 : i32
      %mul3A_401 = vector.broadcast %mul3A_400 : i32 to vector<16xi32>
      %mul3A_402 = arith.muli %add3A_399, %mul3A_401 : vector<16xi32>
      %add3A_403 = arith.constant 0 : i32
      %add3A_404 = vector.broadcast %add3A_403 : i32 to vector<16xi32>
      %add3A_405 = arith.addi %mul3A_402, %add3A_404 : vector<16xi32>
      %gather3A_406 = tpu.vector_load_idx %arg11[%add3A_405] : memref<1280xf32, #tpu.memory_space<vmem>>[vector<16xi32>], vector<16xf32>,
      %add3A_407 = arith.constant 1 : i32
      %add3A_408 = vector.broadcast %add3A_407 : i32 to vector<16xi32>
      %add3A_409 = arith.addi %mul3A_402, %add3A_408 : vector<16xi32>
      %gather3A_410 = tpu.vector_load_idx %arg11[%add3A_409] : memref<1280xf32, #tpu.memory_space<vmem>>[vector<16xi32>], vector<16xf32>,
      %add3A_411 = arith.constant 2 : i32
      %add3A_412 = vector.broadcast %add3A_411 : i32 to vector<16xi32>
      %add3A_413 = arith.addi %mul3A_402, %add3A_412 : vector<16xi32>
      %gather3A_414 = tpu.vector_load_idx %arg11[%add3A_413] : memref<1280xf32, #tpu.memory_space<vmem>>[vector<16xi32>], vector<16xf32>,
      %add3A_415 = arith.constant 3 : i32
      %add3A_416 = vector.broadcast %add3A_415 : i32 to vector<16xi32>
      %add3A_417 = arith.addi %mul3A_402, %add3A_416 : vector<16xi32>
      %gather3A_418 = tpu.vector_load_idx %arg11[%add3A_417] : memref<1280xf32, #tpu.memory_space<vmem>>[vector<16xi32>], vector<16xf32>,
      %add3A_419 = arith.constant 4 : i32
      %add3A_420 = vector.broadcast %add3A_419 : i32 to vector<16xi32>
      %add3A_421 = arith.addi %mul3A_402, %add3A_420 : vector<16xi32>
      %gather3A_422 = tpu.vector_load_idx %arg11[%add3A_421] : memref<1280xf32, #tpu.memory_space<vmem>>[vector<16xi32>], vector<16xf32>,
      %add3A_423 = arith.constant 5 : i32
      %add3A_424 = vector.broadcast %add3A_423 : i32 to vector<16xi32>
      %add3A_425 = arith.addi %mul3A_402, %add3A_424 : vector<16xi32>
      %gather3A_426 = tpu.vector_load_idx %arg11[%add3A_425] : memref<1280xf32, #tpu.memory_space<vmem>>[vector<16xi32>], vector<16xf32>,
      %add3A_427 = arith.constant 6 : i32
      %add3A_428 = vector.broadcast %add3A_427 : i32 to vector<16xi32>
      %add3A_429 = arith.addi %mul3A_402, %add3A_428 : vector<16xi32>
      %gather3A_430 = tpu.vector_load_idx %arg11[%add3A_429] : memref<1280xf32, #tpu.memory_space<vmem>>[vector<16xi32>], vector<16xf32>,
      %add3A_431 = arith.constant 7 : i32
      %add3A_432 = vector.broadcast %add3A_431 : i32 to vector<16xi32>
      %add3A_433 = arith.addi %mul3A_402, %add3A_432 : vector<16xi32>
      %gather3A_434 = tpu.vector_load_idx %arg11[%add3A_433] : memref<1280xf32, #tpu.memory_space<vmem>>[vector<16xi32>], vector<16xf32>,
      %add3A_435 = arith.constant 8 : i32
      %add3A_436 = vector.broadcast %add3A_435 : i32 to vector<16xi32>
      %add3A_437 = arith.addi %mul3A_402, %add3A_436 : vector<16xi32>
      %gather3A_438 = tpu.vector_load_idx %arg11[%add3A_437] : memref<1280xf32, #tpu.memory_space<vmem>>[vector<16xi32>], vector<16xf32>,
      %add3A_439 = arith.constant 9 : i32
      %add3A_440 = vector.broadcast %add3A_439 : i32 to vector<16xi32>
      %add3A_441 = arith.addi %mul3A_402, %add3A_440 : vector<16xi32>
      %gather3A_442 = tpu.vector_load_idx %arg11[%add3A_441] : memref<1280xf32, #tpu.memory_space<vmem>>[vector<16xi32>], vector<16xf32>,
      %add3A_443 = arith.constant 10 : i32
      %add3A_444 = vector.broadcast %add3A_443 : i32 to vector<16xi32>
      %add3A_445 = arith.addi %mul3A_402, %add3A_444 : vector<16xi32>
      %gather3A_446 = tpu.vector_load_idx %arg11[%add3A_445] : memref<1280xf32, #tpu.memory_space<vmem>>[vector<16xi32>], vector<16xf32>,
      %add3A_447 = arith.constant 11 : i32
      %add3A_448 = vector.broadcast %add3A_447 : i32 to vector<16xi32>
      %add3A_449 = arith.addi %mul3A_402, %add3A_448 : vector<16xi32>
      %gather3A_450 = tpu.vector_load_idx %arg11[%add3A_449] : memref<1280xf32, #tpu.memory_space<vmem>>[vector<16xi32>], vector<16xf32>,
      %add3A_451 = arith.constant 12 : i32
      %add3A_452 = vector.broadcast %add3A_451 : i32 to vector<16xi32>
      %add3A_453 = arith.addi %mul3A_402, %add3A_452 : vector<16xi32>
      %gather3A_454 = tpu.vector_load_idx %arg11[%add3A_453] : memref<1280xf32, #tpu.memory_space<vmem>>[vector<16xi32>], vector<16xf32>,
      %add3A_455 = arith.constant 13 : i32
      %add3A_456 = vector.broadcast %add3A_455 : i32 to vector<16xi32>
      %add3A_457 = arith.addi %mul3A_402, %add3A_456 : vector<16xi32>
      %gather3A_458 = tpu.vector_load_idx %arg11[%add3A_457] : memref<1280xf32, #tpu.memory_space<vmem>>[vector<16xi32>], vector<16xf32>,
      %add3A_459 = arith.constant 14 : i32
      %add3A_460 = vector.broadcast %add3A_459 : i32 to vector<16xi32>
      %add3A_461 = arith.addi %mul3A_402, %add3A_460 : vector<16xi32>
      %gather3A_462 = tpu.vector_load_idx %arg11[%add3A_461] : memref<1280xf32, #tpu.memory_space<vmem>>[vector<16xi32>], vector<16xf32>,
      %add3A_463 = arith.constant 15 : i32
      %add3A_464 = vector.broadcast %add3A_463 : i32 to vector<16xi32>
      %add3A_465 = arith.addi %mul3A_402, %add3A_464 : vector<16xi32>
      %gather3A_466 = tpu.vector_load_idx %arg11[%add3A_465] : memref<1280xf32, #tpu.memory_space<vmem>>[vector<16xi32>], vector<16xf32>,
      %add3A_467 = arith.addf %gather3A_406, %gather3A_410 : vector<16xf32>
      %add3A_468 = arith.addf %gather3A_414, %gather3A_418 : vector<16xf32>
      %add3A_469 = arith.addf %gather3A_422, %gather3A_426 : vector<16xf32>
      %add3A_470 = arith.addf %gather3A_430, %gather3A_434 : vector<16xf32>
      %add3A_471 = arith.addf %gather3A_438, %gather3A_442 : vector<16xf32>
      %add3A_472 = arith.addf %gather3A_446, %gather3A_450 : vector<16xf32>
      %add3A_473 = arith.addf %gather3A_454, %gather3A_458 : vector<16xf32>
      %add3A_474 = arith.addf %gather3A_462, %gather3A_466 : vector<16xf32>
      %add3A_475 = arith.addf %add3A_467, %add3A_468 : vector<16xf32>
      %add3A_476 = arith.addf %add3A_469, %add3A_470 : vector<16xf32>
      %add3A_477 = arith.addf %add3A_471, %add3A_472 : vector<16xf32>
      %add3A_478 = arith.addf %add3A_473, %add3A_474 : vector<16xf32>
      %add3A_479 = arith.addf %add3A_475, %add3A_476 : vector<16xf32>
      %add3A_480 = arith.addf %add3A_477, %add3A_478 : vector<16xf32>
      %add3A_481 = arith.addf %add3A_479, %add3A_480 : vector<16xf32>
      %neg3A_482 = arith.constant 0.000000e+00 : f32
      %neg3A_483 = vector.broadcast %neg3A_482 : f32 to vector<16xf32>
      %neg3A_484 = arith.subf %neg3A_483, %add3A_481 : vector<16xf32>
      %exp3A_485 = math.exp %neg3A_484 : vector<16xf32>
      %add3A_486 = arith.constant 1.000000e+00 : f32
      %add3A_487 = vector.broadcast %add3A_486 : f32 to vector<16xf32>
      %add3A_488 = arith.addf %add3A_487, %exp3A_485 : vector<16xf32>
      %div3A_489 = arith.constant 1.000000e+00 : f32
      %div3A_490 = vector.broadcast %div3A_489 : f32 to vector<16xf32>
      %div3A_491 = arith.divf %div3A_490, %add3A_488 : vector<16xf32>
      %mul3A_492 = arith.constant 80 : i32
      %mul3A_493 = arith.muli %scan3A_78, %mul3A_492 : i32
      %add3A_494 = arith.constant 48 : i32
      %add3A_495 = arith.addi %mul3A_493, %add3A_494 : i32
      %swap3A_496 = arith.index_cast %add3A_495 : i32 to index
      %swap3A_497 = tpu.vector_load %arg8[%swap3A_496] {strides = array<i32>} : memref<10000xf32, #tpu.memory_space<vmem>>, vector<16xf32>,
      tpu.vector_store %arg8[%swap3A_496], %div3A_491 {strides = array<i32>} : memref<10000xf32, #tpu.memory_space<vmem>>, vector<16xf32>,
      %add3A_498 = arith.constant 64 : i32
      %add3A_499 = vector.broadcast %add3A_498 : i32 to vector<16xi32>
      %add3A_500 = arith.addi %iota3A, %add3A_499 : vector<16xi32>
      %mul3A_501 = arith.constant 16 : i32
      %mul3A_502 = vector.broadcast %mul3A_501 : i32 to vector<16xi32>
      %mul3A_503 = arith.muli %add3A_500, %mul3A_502 : vector<16xi32>
      %add3A_504 = arith.constant 0 : i32
      %add3A_505 = vector.broadcast %add3A_504 : i32 to vector<16xi32>
      %add3A_506 = arith.addi %mul3A_503, %add3A_505 : vector<16xi32>
      %gather3A_507 = tpu.vector_load_idx %arg11[%add3A_506] : memref<1280xf32, #tpu.memory_space<vmem>>[vector<16xi32>], vector<16xf32>,
      %add3A_508 = arith.constant 1 : i32
      %add3A_509 = vector.broadcast %add3A_508 : i32 to vector<16xi32>
      %add3A_510 = arith.addi %mul3A_503, %add3A_509 : vector<16xi32>
      %gather3A_511 = tpu.vector_load_idx %arg11[%add3A_510] : memref<1280xf32, #tpu.memory_space<vmem>>[vector<16xi32>], vector<16xf32>,
      %add3A_512 = arith.constant 2 : i32
      %add3A_513 = vector.broadcast %add3A_512 : i32 to vector<16xi32>
      %add3A_514 = arith.addi %mul3A_503, %add3A_513 : vector<16xi32>
      %gather3A_515 = tpu.vector_load_idx %arg11[%add3A_514] : memref<1280xf32, #tpu.memory_space<vmem>>[vector<16xi32>], vector<16xf32>,
      %add3A_516 = arith.constant 3 : i32
      %add3A_517 = vector.broadcast %add3A_516 : i32 to vector<16xi32>
      %add3A_518 = arith.addi %mul3A_503, %add3A_517 : vector<16xi32>
      %gather3A_519 = tpu.vector_load_idx %arg11[%add3A_518] : memref<1280xf32, #tpu.memory_space<vmem>>[vector<16xi32>], vector<16xf32>,
      %add3A_520 = arith.constant 4 : i32
      %add3A_521 = vector.broadcast %add3A_520 : i32 to vector<16xi32>
      %add3A_522 = arith.addi %mul3A_503, %add3A_521 : vector<16xi32>
      %gather3A_523 = tpu.vector_load_idx %arg11[%add3A_522] : memref<1280xf32, #tpu.memory_space<vmem>>[vector<16xi32>], vector<16xf32>,
      %add3A_524 = arith.constant 5 : i32
      %add3A_525 = vector.broadcast %add3A_524 : i32 to vector<16xi32>
      %add3A_526 = arith.addi %mul3A_503, %add3A_525 : vector<16xi32>
      %gather3A_527 = tpu.vector_load_idx %arg11[%add3A_526] : memref<1280xf32, #tpu.memory_space<vmem>>[vector<16xi32>], vector<16xf32>,
      %add3A_528 = arith.constant 6 : i32
      %add3A_529 = vector.broadcast %add3A_528 : i32 to vector<16xi32>
      %add3A_530 = arith.addi %mul3A_503, %add3A_529 : vector<16xi32>
      %gather3A_531 = tpu.vector_load_idx %arg11[%add3A_530] : memref<1280xf32, #tpu.memory_space<vmem>>[vector<16xi32>], vector<16xf32>,
      %add3A_532 = arith.constant 7 : i32
      %add3A_533 = vector.broadcast %add3A_532 : i32 to vector<16xi32>
      %add3A_534 = arith.addi %mul3A_503, %add3A_533 : vector<16xi32>
      %gather3A_535 = tpu.vector_load_idx %arg11[%add3A_534] : memref<1280xf32, #tpu.memory_space<vmem>>[vector<16xi32>], vector<16xf32>,
      %add3A_536 = arith.constant 8 : i32
      %add3A_537 = vector.broadcast %add3A_536 : i32 to vector<16xi32>
      %add3A_538 = arith.addi %mul3A_503, %add3A_537 : vector<16xi32>
      %gather3A_539 = tpu.vector_load_idx %arg11[%add3A_538] : memref<1280xf32, #tpu.memory_space<vmem>>[vector<16xi32>], vector<16xf32>,
      %add3A_540 = arith.constant 9 : i32
      %add3A_541 = vector.broadcast %add3A_540 : i32 to vector<16xi32>
      %add3A_542 = arith.addi %mul3A_503, %add3A_541 : vector<16xi32>
      %gather3A_543 = tpu.vector_load_idx %arg11[%add3A_542] : memref<1280xf32, #tpu.memory_space<vmem>>[vector<16xi32>], vector<16xf32>,
      %add3A_544 = arith.constant 10 : i32
      %add3A_545 = vector.broadcast %add3A_544 : i32 to vector<16xi32>
      %add3A_546 = arith.addi %mul3A_503, %add3A_545 : vector<16xi32>
      %gather3A_547 = tpu.vector_load_idx %arg11[%add3A_546] : memref<1280xf32, #tpu.memory_space<vmem>>[vector<16xi32>], vector<16xf32>,
      %add3A_548 = arith.constant 11 : i32
      %add3A_549 = vector.broadcast %add3A_548 : i32 to vector<16xi32>
      %add3A_550 = arith.addi %mul3A_503, %add3A_549 : vector<16xi32>
      %gather3A_551 = tpu.vector_load_idx %arg11[%add3A_550] : memref<1280xf32, #tpu.memory_space<vmem>>[vector<16xi32>], vector<16xf32>,
      %add3A_552 = arith.constant 12 : i32
      %add3A_553 = vector.broadcast %add3A_552 : i32 to vector<16xi32>
      %add3A_554 = arith.addi %mul3A_503, %add3A_553 : vector<16xi32>
      %gather3A_555 = tpu.vector_load_idx %arg11[%add3A_554] : memref<1280xf32, #tpu.memory_space<vmem>>[vector<16xi32>], vector<16xf32>,
      %add3A_556 = arith.constant 13 : i32
      %add3A_557 = vector.broadcast %add3A_556 : i32 to vector<16xi32>
      %add3A_558 = arith.addi %mul3A_503, %add3A_557 : vector<16xi32>
      %gather3A_559 = tpu.vector_load_idx %arg11[%add3A_558] : memref<1280xf32, #tpu.memory_space<vmem>>[vector<16xi32>], vector<16xf32>,
      %add3A_560 = arith.constant 14 : i32
      %add3A_561 = vector.broadcast %add3A_560 : i32 to vector<16xi32>
      %add3A_562 = arith.addi %mul3A_503, %add3A_561 : vector<16xi32>
      %gather3A_563 = tpu.vector_load_idx %arg11[%add3A_562] : memref<1280xf32, #tpu.memory_space<vmem>>[vector<16xi32>], vector<16xf32>,
      %add3A_564 = arith.constant 15 : i32
      %add3A_565 = vector.broadcast %add3A_564 : i32 to vector<16xi32>
      %add3A_566 = arith.addi %mul3A_503, %add3A_565 : vector<16xi32>
      %gather3A_567 = tpu.vector_load_idx %arg11[%add3A_566] : memref<1280xf32, #tpu.memory_space<vmem>>[vector<16xi32>], vector<16xf32>,
      %add3A_568 = arith.addf %gather3A_507, %gather3A_511 : vector<16xf32>
      %add3A_569 = arith.addf %gather3A_515, %gather3A_519 : vector<16xf32>
      %add3A_570 = arith.addf %gather3A_523, %gather3A_527 : vector<16xf32>
      %add3A_571 = arith.addf %gather3A_531, %gather3A_535 : vector<16xf32>
      %add3A_572 = arith.addf %gather3A_539, %gather3A_543 : vector<16xf32>
      %add3A_573 = arith.addf %gather3A_547, %gather3A_551 : vector<16xf32>
      %add3A_574 = arith.addf %gather3A_555, %gather3A_559 : vector<16xf32>
      %add3A_575 = arith.addf %gather3A_563, %gather3A_567 : vector<16xf32>
      %add3A_576 = arith.addf %add3A_568, %add3A_569 : vector<16xf32>
      %add3A_577 = arith.addf %add3A_570, %add3A_571 : vector<16xf32>
      %add3A_578 = arith.addf %add3A_572, %add3A_573 : vector<16xf32>
      %add3A_579 = arith.addf %add3A_574, %add3A_575 : vector<16xf32>
      %add3A_580 = arith.addf %add3A_576, %add3A_577 : vector<16xf32>
      %add3A_581 = arith.addf %add3A_578, %add3A_579 : vector<16xf32>
      %add3A_582 = arith.addf %add3A_580, %add3A_581 : vector<16xf32>
      %neg3A_583 = arith.constant 0.000000e+00 : f32
      %neg3A_584 = vector.broadcast %neg3A_583 : f32 to vector<16xf32>
      %neg3A_585 = arith.subf %neg3A_584, %add3A_582 : vector<16xf32>
      %exp3A_586 = math.exp %neg3A_585 : vector<16xf32>
      %add3A_587 = arith.constant 1.000000e+00 : f32
      %add3A_588 = vector.broadcast %add3A_587 : f32 to vector<16xf32>
      %add3A_589 = arith.addf %add3A_588, %exp3A_586 : vector<16xf32>
      %div3A_590 = arith.constant 1.000000e+00 : f32
      %div3A_591 = vector.broadcast %div3A_590 : f32 to vector<16xf32>
      %div3A_592 = arith.divf %div3A_591, %add3A_589 : vector<16xf32>
      %mul3A_593 = arith.constant 80 : i32
      %mul3A_594 = arith.muli %scan3A_78, %mul3A_593 : i32
      %add3A_595 = arith.constant 64 : i32
      %add3A_596 = arith.addi %mul3A_594, %add3A_595 : i32
      %swap3A_597 = arith.index_cast %add3A_596 : i32 to index
      %swap3A_598 = tpu.vector_load %arg8[%swap3A_597] {strides = array<i32>} : memref<10000xf32, #tpu.memory_space<vmem>>, vector<16xf32>,
      tpu.vector_store %arg8[%swap3A_597], %div3A_592 {strides = array<i32>} : memref<10000xf32, #tpu.memory_space<vmem>>, vector<16xf32>,
    }
    %scan3A_77 = arith.constant 125 : i32
    "tpu.region"() ({
      %run_scoped3A = tpu.sem_alloc : memref<!tpu.dma_semaphore, #tpu.memory_space<semaphore_mem>>
      %dma_start3A_78 = tpu.memref_slice %arg5[%mul3A_2] : memref<320000xf32, #tpu.memory_space<hbm>> -> memref<10000xf32, #tpu.memory_space<hbm>>
      %dma_start3A_79 = tpu.memref_slice %arg5[%mul3A_2] : memref<320000xf32, #tpu.memory_space<hbm>> -> memref<10000xf32, #tpu.memory_space<hbm>>
      tpu.enqueue_dma source(%arg8 : memref<10000xf32, #tpu.memory_space<vmem>>) target(%dma_start3A_79 : memref<10000xf32, #tpu.memory_space<hbm>>) target_semaphore(%run_scoped3A : memref<!tpu.dma_semaphore, #tpu.memory_space<semaphore_mem>>)
      %dma_wait3A = tpu.memref_slice %arg5[%mul3A_2] : memref<320000xf32, #tpu.memory_space<hbm>> -> memref<10000xf32, #tpu.memory_space<hbm>>
      %dma_wait3A_80 = tpu.memref_slice %arg5[%mul3A_2] : memref<320000xf32, #tpu.memory_space<hbm>> -> memref<10000xf32, #tpu.memory_space<hbm>>
      tpu.wait_dma2 semaphore(%run_scoped3A : memref<!tpu.dma_semaphore, #tpu.memory_space<semaphore_mem>>) src(%arg8 : memref<10000xf32, #tpu.memory_space<vmem>>) dst(%dma_wait3A_80 : memref<10000xf32, #tpu.memory_space<hbm>>)
      tpu.yield
    }) : () -> ()
    return
  }
}

</mosaic_0001>

<sc_bundles>
// kernel: kernel.3.cloned.1.call-start
scs
__scs_entry_jumppad:
0x0: {  	(pc) =	sbr.rel $0x88, $3  }
0x1: {  	(tag) =	ssettag $0x0;
	lr =	simm.s32 $0x1  }
0x2: {  	[smem:$0x3F9F] =	sst lr;
	_ =	strace $0xD0000000  }
0x3: {  	_ = 	snop  }
0x4: {  	_ = 	snop  }
0x5: {  	_ = 	snop  }
0x6: {  	_ = 	snop  }
0x7: {  	_ = 	snop  }
__scs_overlays_trampoline_lowered:
0x8: {  	[smem:$0x3FAE] =	sst s0  }
0x9: {  	[smem:$0x3FAF] =	sst s1  }
0xa: {  	[smem:$0x3FB0] =	sst s2  }
0xb: {  	[smem:$0x3FB1] =	sst s3  }
0xc: {  	[smem:$0x3FB2] =	sst s4  }
0xd: {  	[smem:$0x3FB3] =	sst s5  }
0xe: {  	[smem:$0x3FB4] =	sst s6  }
0xf: {  	[smem:$0x3FB5] =	sst s7  }
0x10: {  	[smem:$0x3FB6] =	sst s8  }
0x11: {  	[smem:$0x3FB7] =	sst s9;
	s0 =	simm.s32 @!p0 $0x0  }
0x12: {  	s1 =	sld [smem:$0x3F9D];
	s0 =	simm.s32 @p0 $0x1  }
0x13: {  	[smem:$0x3FB8] =	sst s0;
	s0 =	simm.s32 @!p1 $0x0  }
0x14: {  	s2 =	sld [smem:$0x3F9C];
	s0 =	simm.s32 @p1 $0x1  }
0x15: {  	[smem:$0x3FB9] =	sst s0;
	s0 =	simm.s32 @!p2 $0x0  }
0x16: {  	s3 =	sld [smem:$0x3FDB];
	s0 =	simm.s32 @p2 $0x1  }
0x17: {  	s4 =	simm.s32 $0x1BF5;
	[smem:$0x3FBB] =	sst s0  }
0x18: {  	s0 =	sld [smem:$0x3F9E];
	_ =	swait.ge [sflag:s4], $0x0  }
0x19: {  	s7 =	sld [smem:$0x3F9F]  }
0x1a: {  	s8 =	sadd.s32 $0xFFFFE003, lr  }
0x1b: {  	s9 =	sadd.s32 $0xFFFFFEF7, lr;
	s5 =	simm.s32 $0xFFFFFFFF;
	p2 =	slt.u32 s8, $0xFFFFF086  }
0x1c: {  	p1 =	slt.u32 s9, $0xF7A;
	s5 =	simm.s32 @!p2 $0x0  }
0x1d: {  	s5 =	simm.s32 @p1 $0x1;
	p0 =	seq.s32 s7, s2  }
0x1e: {  	s7 =	smul.u32 @!p0 $0xF7A, s2;
	p2 =	seq.s32 @!p0 s5, $0x0  }
0x1f: {  	s9 =	smul.u32 $0xF7A, s1;
	s8 =	simm.s32 @!p0 $0x1BF5;
	p2 =	por !p2, p0  }
0x20: {  	[sflag:s8] =	ssyncset.s32 @!p0 $0xFFFFF086;
	s6 =	sadd.s32 @!p0 s3, s7;
	s7 =	simm.s32 @!p0 $0x108  }
0x21: {  	s3 =	sadd.s32 s3, s9;
	s6 =	sadd.s32 @!p0 $0x88, s6;
	s7 =	simm.s32 @p2 $0x1082  }
0x22: {  	[simem:s7], [sflag:s8] =	dma.local @!p0 [hbm:s6], $0xF7A  }
0x23: {  	s9 =	sor.u32 $0xD0000000, s2;
	s6 =	simm.s32 $0x108;
	_ =	swait.ge @!p0 [sflag:s8], $0x0  }
0x24: {  	s3 =	sadd.s32 $0x88, s3;
	s6 =	simm.s32 @!p1 $0x1082;
	[sflag:s4] =	ssyncset.s32 $0xFFFFF086  }
0x25: {  	[simem:s6], [sflag:s4] =	dma.local [hbm:s3], $0xF7A  }
0x26: {  	[smem:$0x3F9F] =	sst s1;
	(tag) =	ssettag s2;
	_ =	strace s9  }
0x27: {  	s1 =	sld [smem:$0x3FAF]  }
0x28: {  	s2 =	sld [smem:$0x3FB0]  }
0x29: {  	s4 =	sld [smem:$0x3FB2]  }
0x2a: {  	p0 =	seq.s32 s5, $0x0;
	s5 =	sld [smem:$0x3FB3]  }
0x2b: {  	s6 =	sld [smem:$0x3FB4]  }
0x2c: {  	s7 =	sld [smem:$0x3FB5]  }
0x2d: {  	s3 =	simm.s32 $0x108;
	s8 =	sld [smem:$0x3FB6]  }
0x2e: {  	s3 =	simm.s32 @!p0 $0x1082;
	s9 =	sld [smem:$0x3FB7]  }
0x2f: {  	lr =	sadd.s32 s0, s3;
	s0 =	sld [smem:$0x3FAE]  }
0x30: {  	s3 =	sld [smem:$0x3FB1]  }
0x31: {  	[smem:$0x3FBA] =	sst s10  }
0x32: {  	s10 =	sld [smem:$0x3FB8];
	_ =	sdelay $0x3  }
0x33: {  	p0 =	seq.s32 s10, $0x1;
	s10 =	sld [smem:$0x3FBA];
	_ =	sdelay $0x3  }
0x34: {  	[smem:$0x3FBA] =	sst s10  }
0x35: {  	s10 =	sld [smem:$0x3FB9];
	_ =	sdelay $0x3  }
0x36: {  	p1 =	seq.s32 s10, $0x1;
	s10 =	sld [smem:$0x3FBA];
	_ =	sdelay $0x3  }
0x37: {  	[smem:$0x3FBA] =	sst s10  }
0x38: {  	s10 =	sld [smem:$0x3FBB]  }
0x39: {  	_ = 	snop;
	(pc) =	sbr.ind lr, $3  }
0x3a: {  	_ = 	snop  }
0x3b: {  	_ = 	snop  }
0x3c: {  	p2 =	seq.s32 s10, $0x1;
	s10 =	sld [smem:$0x3FBA]  }
0x3d: {  	_ =	shalt  }
0x3e: {  	_ =	shalt  }
0x3f: {  	_ =	shalt  }
0x40: {  	_ =	shalt  }
0x41: {  	_ =	shalt  }
0x42: {  	_ =	shalt  }
0x43: {  	_ =	shalt  }
0x44: {  	_ =	shalt  }
0x45: {  	_ =	shalt  }
0x46: {  	_ =	shalt  }
0x47: {  	_ =	shalt  }
0x48: {  	_ =	shalt  }
0x49: {  	_ =	shalt  }
0x4a: {  	_ =	shalt  }
0x4b: {  	_ =	shalt  }
0x4c: {  	_ =	shalt  }
0x4d: {  	_ =	shalt  }
0x4e: {  	_ =	shalt  }
0x4f: {  	_ =	shalt  }
0x50: {  	_ =	shalt  }
0x51: {  	_ =	shalt  }
0x52: {  	_ =	shalt  }
0x53: {  	_ =	shalt  }
0x54: {  	_ =	shalt  }
0x55: {  	_ =	shalt  }
0x56: {  	_ =	shalt  }
0x57: {  	_ =	shalt  }
0x58: {  	_ =	shalt  }
0x59: {  	_ =	shalt  }
0x5a: {  	_ =	shalt  }
0x5b: {  	_ =	shalt  }
0x5c: {  	_ =	shalt  }
0x5d: {  	_ =	shalt  }
0x5e: {  	_ =	shalt  }
0x5f: {  	_ =	shalt  }
0x60: {  	_ =	shalt  }
0x61: {  	_ =	shalt  }
0x62: {  	_ =	shalt  }
0x63: {  	_ =	shalt  }
0x64: {  	_ =	shalt  }
0x65: {  	_ =	shalt  }
0x66: {  	_ =	shalt  }
0x67: {  	_ =	shalt  }
0x68: {  	_ =	shalt  }
0x69: {  	_ =	shalt  }
0x6a: {  	_ =	shalt  }
0x6b: {  	_ =	shalt  }
0x6c: {  	_ =	shalt  }
0x6d: {  	_ =	shalt  }
0x6e: {  	_ =	shalt  }
0x6f: {  	_ =	shalt  }
0x70: {  	_ =	shalt  }
0x71: {  	_ =	shalt  }
0x72: {  	_ =	shalt  }
0x73: {  	_ =	shalt  }
0x74: {  	_ =	shalt  }
0x75: {  	_ =	shalt  }
0x76: {  	_ =	shalt  }
0x77: {  	_ =	shalt  }
0x78: {  	_ =	shalt  }
0x79: {  	_ =	shalt  }
0x7a: {  	_ =	shalt  }
0x7b: {  	_ =	shalt  }
0x7c: {  	_ =	shalt  }
0x7d: {  	_ =	shalt  }
0x7e: {  	_ =	shalt  }
0x7f: {  	_ =	shalt  }
0x80: {  	_ =	shalt  }
0x81: {  	_ =	shalt  }
0x82: {  	_ =	shalt  }
0x83: {  	_ =	shalt  }
0x84: {  	_ =	shalt  }
0x85: {  	_ =	shalt  }
0x86: {  	_ =	shalt  }
0x87: {  	_ =	shalt  }
.Lfunc_end0:
.L_simem_size_0:
called_computation_lowered:
.L_overlay_start_0:
0x88: {  	s2 =	sld [smem:$0x3FD9]  }
0x89: {  	s3 =	sld [smem:$0x3FFE];
	_ =	sdelay $0x1  }
0x8a: {  	s1 =	srdreg.scid  }
0x8b: {  	s0 =	sand.u32 $0x1, s1  }
0x8c: {  	s17 =	sshll.u32 s0, $0xA;
	s2 =	sadd.s32 s3, s2  }
0x8d: {  	s2 =	sadd.s32 s2, s17  }
0x8e: {  	[smem:$0x3FC6] =	sst s2  }
0x8f: {  	_ = 	snop  }
0x90: {  	s2 =	sld [smem:$0x3FC9]  }
0x91: {  	s18 =	sld [smem:$0x3FD0];
	(tm) =	ssettm $0x1  }
0x92: {  	s4 =	sld [smem:$0x3FFB];
	_ =	sdelay $0x3  }
0x93: {  	_ =	strace s4  }
0x94: {  	s4 =	sld [smem:$0x3FFC];
	_ =	sdelay $0x3  }
0x95: {  	_ =	strace s4  }
0x96: {  	s4 =	sld [smem:$0x3FFD];
	_ =	sdelay $0x3  }
0x97: {  	_ =	strace s4  }
0x98: {  	_ =	strace $0x8FFFFFFF  }
0x99: {  	s19 =	sld [smem:$0x3FDB];
	_ =	sdelay $0x1  }
0x9a: {  	s5 =	simm.s32 $_scs_section_size  }
0x9b: {  	s6 =	simm.s32 $_size__tile_overlayer_lowered;
	s7 =	simm.s32 $_tile_overlayer_lowered  }
0x9c: {  	s22 =	simm.s32 $0x1BFF;
	s21 =	sshll.u32 s7, $0x1;
	s4 =	sadd.s32 s5, s19  }
0x9d: {  	s8 =	simm.s32 $0x0;
	s20 =	sshll.u32 s6, $0x1;
	s6 =	sadd.s32 s21, s4  }
0x9e: {  	[timem:s8], [sflag:s22] =	dma.local [hbm:s6], s20  }
0x9f: {  	_ =	swait.ge [sflag:s22], s20  }
0xa0: {  	s5 =	ssub.s32 $0x0, s20;
	[sflag:s22] =	ssyncset.done $0x0  }
0xa1: {  	[sflag:s22] =	ssyncadd.s32 s5;
	_ =	sdelay $0x1  }
0xa2: {  	s23 =	simm.s32 $0x1B8B  }
0xa3: {  	_ =	swait.ge [sflag:s23], $0x1  }
0xa4: {  	[sflag:s23] =	ssyncset.done $0x0  }
0xa5: {  	s25 =	simm.s32 $0x1B8E;
	s24 =	sld [smem:$0x3FFE];
	[sflag:s23] =	ssyncadd.s32 $0xFFFFFFFF  }
0xa6: {  	s26 =	simm.s32 $execute0_lowered;
	[smem:$0x3FD2] =	sst s25  }
0xa7: {  	s6 =	sshll.u32 s26, $0x1;
	_ =	strace $0x80000046;
	[dreg:$0x1] =	wrdreg $0xFFFFFFFF  }
0xa8: {  	s28 =	simm.s32 $_size_execute0_lowered;
	s4 =	sadd.s32 s4, s6;
	[dreg:$0x0] =	wrdreg $0x0  }
0xa9: {  	s6 =	sshll.u32 s28, $0x1;
	[dreg:$0x2] =	wrdreg s4  }
0xaa: {  	[dreg:$0x3] =	wrdreg s6  }
0xab: {  	[dreg:$0x4] =	wrdreg $0xC0  }
0xac: {  	_ =	task [dreg:s8], $0x5FFFF  }
0xad: {  	[dreg:$0x1] =	wrdreg $0xFFFFFFFF  }
0xae: {  	[dreg:$0x0] =	wrdreg $0x60  }
0xaf: {  	[dreg:$0x2] =	wrdreg s2  }
0xb0: {  	[dreg:$0x3] =	wrdreg s24  }
0xb1: {  	[dreg:$0x4] =	wrdreg s18  }
0xb2: {  	[dreg:$0x5] =	wrdreg $0x9  }
0xb3: {  	_ =	task.clear_ibuf [dreg:s8], $0x6FFFF;
	_ =	strace $0x90000046  }
0xb4: {  	s29 =	simm.s32 $0x9;
	_ =	strace $0x80000048  }
0xb5: {  	_ =	swait.ge [sflag:s29], $0x1  }
0xb6: {  	[sflag:s29] =	ssyncadd.s32 $0xFFFFFFFF  }
0xb7: {  	_ =	strace $0x90000048  }
0xb8: {  	_ =	sfence  }
0xb9: {  	s30 =	sld [smem:$0x0];
	_ =	sdelay $0x2  }
0xba: {  	s31 =	sshll.u32 s1, $0xD;
	s1 =	sshrl.u32 s1, $0x2  }
0xbb: {  	s3 =	sand.u32 $0x4000, s31;
	s1 =	sadd.s32 s1, s30  }
0xbc: {  	s0 =	sor.u32 s3, s0;
	s1 =	sshll.u32 s1, $0x11  }
0xbd: {  	s0 =	sor.u32 s1, s0  }
0xbe: {  	s0 =	sadd.s32 $0x8F2B, s0  }
0xbf: {  	[sflag:s0] =	ssyncadd.remote.s32 $0x1  }
0xc0: {  	_ =	sfence.sel $0xFFFF  }
0xc1: {  	[dreg:$0x0] =	wrdreg $0xFFFFFFFF;
	(pc) =	sbr.abs _section_cstart, $3  }
0xc2: {  	[dreg:$0x1] =	wrdreg $0xFFFFFFFF  }
0xc3: {  	_ =	task.clear_ibuf [dreg:s8], $0x2FFFF;
	_ =	strace $0x9FFFFFFF  }
0xc4: {  	(tm) =	ssettm $0x7FFFFFFF  }
0xc5: {  	_ =	shalt  }
tec
execute0_lowered:
.L_overlay_start_1:
0x0: {  	(tag) =	ssettag $0x1  }
0x1: {  	v0 =	vlaneseq.u32  }
0x2: {  	v0 =	vmul.u32 $0x10, v0;
	_ =	sdelay $0x1  }
0x3: {  	v1 =	vor.u32 $0x1, v0  }
0x4: {  	[tilespmem:$0x1FD40] =	vst v1;
	v1 =	vor.u32 $0x2, v0  }
0x5: {  	[tilespmem:$0x1FD50] =	vst v1;
	v1 =	vor.u32 $0x3, v0  }
0x6: {  	[tilespmem:$0x1FD60] =	vst v1;
	v1 =	vor.u32 $0x4, v0  }
0x7: {  	[tilespmem:$0x1FD70] =	vst v1;
	v1 =	vor.u32 $0x5, v0  }
0x8: {  	[tilespmem:$0x1FD80] =	vst v1;
	v1 =	vor.u32 $0x6, v0  }
0x9: {  	[tilespmem:$0x1FD90] =	vst v1;
	v1 =	vor.u32 $0x7, v0  }
0xa: {  	[tilespmem:$0x1FDA0] =	vst v1;
	v1 =	vor.u32 $0x8, v0  }
0xb: {  	[tilespmem:$0x1FDB0] =	vst v1;
	v1 =	vor.u32 $0x9, v0  }
0xc: {  	[tilespmem:$0x1FDC0] =	vst v1;
	v1 =	vor.u32 $0xA, v0  }
0xd: {  	[tilespmem:$0x1FDD0] =	vst v1;
	v1 =	vor.u32 $0xB, v0  }
0xe: {  	[tilespmem:$0x1FDE0] =	vst v1;
	v1 =	vor.u32 $0xC, v0  }
0xf: {  	[tilespmem:$0x1FDF0] =	vst v1;
	v1 =	vor.u32 $0xD, v0  }
0x10: {  	[tilespmem:$0x1FE00] =	vst v1;
	v1 =	vor.u32 $0xE, v0  }
0x11: {  	[tilespmem:$0x1FE10] =	vst v1;
	v1 =	vor.u32 $0xF, v0  }
0x12: {  	[tilespmem:$0x1FE20] =	vst v1;
	v1 =	vor.u32 $0x100, v0  }
0x13: {  	[tilespmem:$0x1FE30] =	vst v1;
	v1 =	vor.u32 $0x101, v0  }
0x14: {  	[tilespmem:$0x1FE40] =	vst v1;
	v1 =	vor.u32 $0x102, v0  }
0x15: {  	[tilespmem:$0x1FE50] =	vst v1;
	v1 =	vor.u32 $0x103, v0  }
0x16: {  	[tilespmem:$0x1FE60] =	vst v1;
	v1 =	vor.u32 $0x104, v0  }
0x17: {  	[tilespmem:$0x1FE70] =	vst v1;
	v1 =	vor.u32 $0x105, v0  }
0x18: {  	[tilespmem:$0x1FE80] =	vst v1;
	v1 =	vor.u32 $0x106, v0  }
0x19: {  	[tilespmem:$0x1FE90] =	vst v1;
	v1 =	vor.u32 $0x107, v0  }
0x1a: {  	[tilespmem:$0x1FEA0] =	vst v1;
	v1 =	vor.u32 $0x108, v0  }
0x1b: {  	[tilespmem:$0x1FEB0] =	vst v1;
	v1 =	vor.u32 $0x109, v0  }
0x1c: {  	[tilespmem:$0x1FEC0] =	vst v1;
	v1 =	vor.u32 $0x10A, v0  }
0x1d: {  	[tilespmem:$0x1FED0] =	vst v1;
	v1 =	vor.u32 $0x10B, v0  }
0x1e: {  	[tilespmem:$0x1FEE0] =	vst v1;
	v1 =	vor.u32 $0x10C, v0  }
0x1f: {  	[tilespmem:$0x1FEF0] =	vst v1;
	v1 =	vor.u32 $0x10D, v0  }
0x20: {  	[tilespmem:$0x1FF00] =	vst v1;
	v1 =	vor.u32 $0x10E, v0  }
0x21: {  	[tilespmem:$0x1FF10] =	vst v1;
	v1 =	vor.u32 $0x10F, v0  }
0x22: {  	[tilespmem:$0x1FF20] =	vst v1;
	v1 =	vor.u32 $0x200, v0  }
0x23: {  	s0 =	rddreg [dreg:$0x0];
	s2 =	srdreg.scid;
	[tilespmem:$0x1FF30] =	vst v1;
	v1 =	vor.u32 $0x201, v0  }
0x24: {  	s1 =	stileid.u32;
	s4 =	rddreg [dreg:$0x1];
	[tilespmem:$0x1FF40] =	vst v1;
	v1 =	vor.u32 $0x202, v0  }
0x25: {  	s9 =	simm.s32 $0x2710;
	s10 =	simm.s32 $0x50;
	s11 =	simm.s32 $0x7530;
	[tilespmem:$0x1FF50] =	vst v1;
	v1 =	vor.u32 $0x203, v0  }
0x26: {  	s12 =	simm.s32 $0x11530;
	s13 =	simm.s32 $0x9D30;
	s14 =	simm.s32 $0x2760;
	[tilespmem:$0x1FF60] =	vst v1;
	v1 =	vor.u32 $0x204, v0  }
0x27: {  	s6 =	rddreg [dreg:$0x2];
	s15 =	simm.s32 $0x13D30;
	s16 =	simm.s32 $0xA0;
	v45 =	vor.u32 $0x20D, v0;
	v46 =	vor.u32 $0x20E, v0;
	[tilespmem:$0x1FF70] =	vst v1;
	v1 =	vor.u32 $0x205, v0  }
0x28: {  	s3 =	simm.s32 $0x0;
	s17 =	simm.s32 $0xC530;
	s18 =	simm.s32 $0x27B0;
	v47 =	vor.u32 $0x20F, v0;
	v48 =	vor.u32 $0x300, v0;
	[tilespmem:$0x1FF80] =	vst v1;
	v1 =	vor.u32 $0x206, v0  }
0x29: {  	s19 =	simm.s32 $0x16530;
	s20 =	simm.s32 $0x1;
	s21 =	simm.s32 $0x2;
	v49 =	vor.u32 $0x301, v0;
	v50 =	vor.u32 $0x302, v0;
	[tilespmem:$0x1FF90] =	vst v1;
	v1 =	vor.u32 $0x207, v0  }
0x2a: {  	s5 =	sand.u32 $0x1, s2;
	s31 =	sshll.u32 s1, $0x1;
	[smem:$0x7FF] =	sst s3;
	v51 =	vor.u32 $0x303, v0;
	v52 =	vor.u32 $0x304, v0;
	[tilespmem:$0x1FFA0] =	vst v1;
	v1 =	vor.u32 $0x208, v0  }
0x2b: {  	s2 =	rddreg [dreg:$0x3];
	s7 =	sor.u32 s5, s31;
	v53 =	vor.u32 $0x305, v0;
	v54 =	vor.u32 $0x306, v0;
	_ =	strace $0x80000047;
	[tilespmem:$0x1FFB0] =	vst v1;
	v1 =	vor.u32 $0x209, v0  }
0x2c: {  	s22 =	simm.s32 $0x1B530;
	s5 =	ssub.s32 $0x2, s5;
	s7 =	smul.u32 $0x4E2, s7;
	v55 =	vor.u32 $0x307, v0;
	v56 =	vor.u32 $0x308, v0;
	[tilespmem:$0x1FFC0] =	vst v1;
	v1 =	vor.u32 $0x20A, v0  }
0x2d: {  	s23 =	simm.s32 $0x4E20;
	s24 =	simm.s32 $0x0;
	s8 =	sshrl.u32 s5, $0x1;
	v57 =	vor.u32 $0x309, v0;
	v58 =	vor.u32 $0x30A, v0;
	[tilespmem:$0x1FFD0] =	vst v1;
	v1 =	vor.u32 $0x20B, v0  }
0x2e: {  	v59 =	vor.u32 $0x30B, v0;
	v60 =	vor.u32 $0x30C, v0;
	s8 =	ssub.s32 s5, s8;
	s4 =	sadd.s32 s4, s7;
	s6 =	sadd.s32 s6, s7;
	[tilespmem:$0x1FFE0] =	vst v1;
	v1 =	vor.u32 $0x20C, v0  }
0x2f: {  	v61 =	vor.u32 $0x30D, v0;
	v62 =	vor.u32 $0x30E, v0;
	v63 =	vor.u32 $0x30F, v0;
	s7 =	smax.u32 s8, $0x1;
	s8 =	simm.s32 $0x3;
	s5 =	sadd.s32 $0x9E00, s4;
	[tilespmem:$0x1FFF0] =	vst v1  }
.LBB2_1:
0x30: {  	[tilespmem:s3], [sflag:$0x3] =	stream.linear.gather [hbm4b:s5+s3], $0x2710, $0x38;
	[tilespmem:$0x1BA30] =	vst v63  }
0x31: {  	_ =	swait.ge [sflag:s8], $0x2710  }
0x32: {  	[sflag:s8] =	ssyncset.done $0x0  }
0x33: {  	[sflag:s8] =	ssyncadd.s32 $0xFFFFD8F0  }
0x34: {  	[tilespmem:s9], [sflag:$0x3] =	stream.linear.gather [hbm4b:s4+s3], $0x2710, $0x38;
	[tilespmem:$0x1BA30] =	vst v63  }
0x35: {  	_ =	swait.ge [sflag:s8], $0x2710  }
0x36: {  	[sflag:s8] =	ssyncset.done $0x0  }
0x37: {  	[sflag:s8] =	ssyncadd.s32 $0xFFFFD8F0  }
0x38: {  	[tilespmem:s11], [sflag:$0x1] =	stream.indirect.gather [hbm4b:s0+s10], $0x80, s3, s10, $0xb8;
	[tilespmem:$0x1BA30] =	vst v63  }
0x39: {  	_ = 	snop  }
0x3a: {  	[tilespmem:s12], [sflag:$0x2] =	stream.indirect.gather [hbm4b:s0+s10], $0x80, s9, s10, $0xb8;
	[tilespmem:$0x1BA30] =	vst v63  }
0x3b: {  	_ = 	snop  }
0x3c: {  	[tilespmem:s13], [sflag:$0x1] =	stream.indirect.gather [hbm4b:s0+s10], $0x80, s10, s10, $0xb8;
	[tilespmem:$0x1BA30] =	vst v63  }
0x3d: {  	_ = 	snop  }
0x3e: {  	[tilespmem:s15], [sflag:$0x2] =	stream.indirect.gather [hbm4b:s0+s10], $0x80, s14, s10, $0xb8;
	[tilespmem:$0x1BA30] =	vst v63  }
0x3f: {  	_ = 	snop  }
0x40: {  	[tilespmem:s17], [sflag:$0x1] =	stream.indirect.gather [hbm4b:s0+s10], $0x80, s16, s10, $0xb8;
	[tilespmem:$0x1BA30] =	vst v63  }
0x41: {  	s25 =	simm.s32 $0x0;
	s26 =	simm.s32 $0x0  }
0x42: {  	[tilespmem:s19], [sflag:$0x2] =	stream.indirect.gather [hbm4b:s0+s10], $0x80, s18, s10, $0xb8;
	[tilespmem:$0x1BA30] =	vst v63  }
.LBB2_2:
0x43: {  	p0 =	sgt.u32 s26, $0x79  }
0x44: {  	s28 =	sadd.s32 @!p0 $0x3, s26  }
0x45: {  	s29 =	sand.u32 @!p0 $0x3, s28  }
0x46: {  	s29 =	smul.u32 @!p0 $0x2800, s29  }
0x47: {  	s28 =	smul.u32 @!p0 $0x50, s28  }
0x48: {  	s31 =	simm.s32 @!p0 $0x50;
	s30 =	sadd.s32 @!p0 $0x7530, s29  }
0x49: {  	[tilespmem:s30], [sflag:$0x1] =	stream.indirect.gather @!p0 [hbm4b:s0+s31], $0x80, s28, s31, $0xb8;
	[tilespmem:$0x1BA30] =	vst v63  }
0x4a: {  	s29 =	sadd.s32 @!p0 $0x11530, s29;
	s28 =	sadd.s32 @!p0 $0x2710, s28  }
0x4b: {  	[tilespmem:s29], [sflag:$0x2] =	stream.indirect.gather @!p0 [hbm4b:s0+s31], $0x80, s28, s31, $0xb8;
	[tilespmem:$0x1BA30] =	vst v63  }
0x4c: {  	_ =	swait.ge [sflag:s20], $0x2800  }
0x4d: {  	s28 =	sand.u32 $0x3, s25;
	[sflag:s20] =	ssyncset.done $0x0  }
0x4e: {  	s28 =	smul.u32 $0xA000, s28;
	[sflag:s20] =	ssyncadd.s32 $0xFFFFD800  }
0x4f: {  	_ =	swait.ge [sflag:s21], $0x2800  }
0x50: {  	s28 =	sshrl.u32 s28, $0x2;
	[sflag:s21] =	ssyncset.done $0x0  }
0x51: {  	s31 =	sadd.s32 $0x7630, s28;
	[sflag:s21] =	ssyncadd.s32 $0xFFFFD800  }
0x52: {  	s28 =	sadd.s32 $0x11630, s28;
	v1 =	vld [tilespmem:s31+$0xE0]  }
0x53: {  	v2 =	vld [tilespmem:s28+$0xE0]  }
0x54: {  	v3 =	vld [tilespmem:s31+$0xC0]  }
0x55: {  	v4 =	vld [tilespmem:s28+$0xC0]  }
0x56: {  	v5 =	vld [tilespmem:s31+$0x80]  }
0x57: {  	v6 =	vld [tilespmem:s28+$0x80]  }
0x58: {  	v7 =	vld [tilespmem:s31+$0x90]  }
0x59: {  	v8 =	vld [tilespmem:s28+$0x90]  }
0x5a: {  	v9 =	vld [tilespmem:s31+$0xA0]  }
0x5b: {  	v10 =	vld [tilespmem:s28+$0xA0]  }
0x5c: {  	v11 =	vld [tilespmem:s31+$0xB0]  }
0x5d: {  	v12 =	vld [tilespmem:s28+$0xB0]  }
0x5e: {  	v13 =	vld [tilespmem:s31+$0xD0]  }
0x5f: {  	v14 =	vld [tilespmem:s28+$0xD0]  }
0x60: {  	v15 =	vld [tilespmem:s31+$0xF0]  }
0x61: {  	v16 =	vld [tilespmem:s28+$0xF0]  }
0x62: {  	v17 =	vld [tilespmem:s28+$0xFFFFFF00]  }
0x63: {  	v18 =	vld [tilespmem:s31+$0xFFFFFF10]  }
0x64: {  	v19 =	vld [tilespmem:s28+$0xFFFFFF10]  }
0x65: {  	v20 =	vld [tilespmem:s31+$0xFFFFFF20]  }
0x66: {  	v21 =	vld [tilespmem:s28+$0xFFFFFF20]  }
0x67: {  	v22 =	vld [tilespmem:s31+$0xFFFFFF30]  }
0x68: {  	v23 =	vld [tilespmem:s28+$0xFFFFFF30]  }
0x69: {  	v24 =	vld [tilespmem:s31+$0xFFFFFF80]  }
0x6a: {  	v25 =	vld [tilespmem:s28+$0xFFFFFF80]  }
0x6b: {  	v26 =	vld [tilespmem:s31+$0xFFFFFF90]  }
0x6c: {  	v27 =	vld [tilespmem:s28+$0xFFFFFF90]  }
0x6d: {  	v28 =	vld [tilespmem:s31+$0xFFFFFFA0]  }
0x6e: {  	v29 =	vld [tilespmem:s28+$0xFFFFFFA0]  }
0x6f: {  	v30 =	vld [tilespmem:s31+$0xFFFFFFB0]  }
0x70: {  	v31 =	vld [tilespmem:s28+$0xFFFFFFB0]  }
0x71: {  	v32 =	vld [tilespmem:s31+$0x0]  }
0x72: {  	v33 =	vld [tilespmem:s28+$0x0]  }
0x73: {  	v34 =	vld [tilespmem:s31+$0x10]  }
0x74: {  	v35 =	vld [tilespmem:s28+$0x10]  }
0x75: {  	v36 =	vld [tilespmem:s31+$0x20]  }
0x76: {  	v37 =	vld [tilespmem:s28+$0x20]  }
0x77: {  	v38 =	vld [tilespmem:s31+$0x30]  }
0x78: {  	v39 =	vld [tilespmem:s28+$0x30]  }
0x79: {  	v40 =	vld [tilespmem:s31+$0xFFFFFF00]  }
0x7a: {  	v41 =	vld [tilespmem:s31+$0xFFFFFF40]  }
0x7b: {  	v42 =	vld [tilespmem:s28+$0xFFFFFF40]  }
0x7c: {  	v43 =	vld [tilespmem:s31+$0xFFFFFF50]  }
0x7d: {  	v44 =	vld [tilespmem:s28+$0xFFFFFF50]  }
0x7e: {  	v5 =	vmul.f32 v6, v5;
	v6 =	vmul.f32 v10, v9;
	v9 =	vld [tilespmem:s31+$0xFFFFFFC0]  }
0x7f: {  	v7 =	vmul.f32 v8, v7;
	v8 =	vmul.f32 v12, v11;
	v10 =	vld [tilespmem:s28+$0xFFFFFFC0]  }
0x80: {  	v3 =	vmul.f32 v4, v3;
	v11 =	vld [tilespmem:s28+$0x40]  }
0x81: {  	v12 =	vld [tilespmem:s28+$0x50];
	v4 =	vadd.f32 v6, v5;
	v5 =	vadd.f32 v8, v7;
	v7 =	vmul.f32 v14, v13  }
0x82: {  	v1 =	vmul.f32 v2, v1;
	v32 =	vmul.f32 v33, v32;
	v33 =	vld [tilespmem:s31+$0xFFFFFF70]  }
0x83: {  	v6 =	vld [tilespmem:s31+$0xFFFFFFD0];
	v2 =	vadd.f32 v3, v4;
	v4 =	vadd.f32 v7, v5;
	v5 =	vmul.f32 v16, v15  }
0x84: {  	v17 =	vmul.f32 v17, v40;
	v42 =	vmul.f32 v42, v41;
	v8 =	vld [tilespmem:s28+$0xFFFFFFD0]  }
0x85: {  	v43 =	vmul.f32 v44, v43;
	v3 =	vld [tilespmem:s31+$0x40];
	v1 =	vadd.f32 v1, v2;
	v4 =	vadd.f32 v5, v4  }
0x86: {  	v13 =	vmul.f32 v23, v22;
	v15 =	vld [tilespmem:s31+$0xFFFFFF60];
	v5 =	vmul.f32 v19, v18  }
0x87: {  	v14 =	vmul.f32 v25, v24;
	v2 =	vld [tilespmem:s31+$0x50];
	v16 =	vadd.f32 v4, v1;
	v4 =	vmul.f32 v29, v28  }
0x88: {  	v1 =	vmul.f32 v27, v26;
	v29 =	vld [tilespmem:s28+$0xFFFFFF60];
	v13 =	vadd.f32 v13, v5;
	v5 =	vmul.f32 v31, v30  }
0x89: {  	v7 =	vmul.f32 v21, v20;
	v4 =	vadd.f32 v4, v14;
	v14 =	vmul.f32 v35, v34;
	v34 =	vld [tilespmem:s28+$0xFFFFFF70]  }
0x8a: {  	v40 =	vld [tilespmem:s31+$0xFFFFFFE0];
	v35 =	vadd.f32 v5, v1;
	v1 =	vmul.f32 v37, v36;
	v5 =	vmul.f32 v39, v38  }
0x8b: {  	v44 =	vld [tilespmem:s28+$0xFFFFFFE0];
	v7 =	vadd.f32 v7, v17;
	v8 =	vmul.f32 v8, v6;
	v3 =	vmul.f32 v11, v3  }
0x8c: {  	v19 =	vadd.f32 v1, v32;
	v14 =	vadd.f32 v5, v14;
	v1 =	vmul.f32 v10, v9;
	v5 =	vld [tilespmem:s31+$0xFFFFFFF0]  }
0x8d: {  	v13 =	vadd.f32 v43, v13;
	v10 =	vadd.f32 v42, v7;
	v7 =	vld [tilespmem:s28+$0xFFFFFFF0];
	v11 =	vmul.f32 v29, v15  }
0x8e: {  	v6 =	vld [tilespmem:s31+$0x60];
	v1 =	vadd.f32 v1, v4;
	v4 =	vmul.f32 v12, v2;
	v12 =	vmul.f32 v34, v33  }
0x8f: {  	v2 =	vadd.f32 v8, v35;
	v8 =	vld [tilespmem:s28+$0x60]  }
0x90: {  	s29 =	simm.s32 $0x1B550;
	v9 =	vld [tilespmem:s31+$0x70];
	v11 =	vadd.f32 v11, v10;
	v13 =	vadd.f32 v12, v13;
	v12 =	vmul.f32 v44, v40  }
0x91: {  	s30 =	simm.s32 $0x0;
	[tilespmem:s29+$0x10] =	vst v16;
	s31 =	sadd.s32 $0x200, s31;
	v3 =	vadd.f32 v3, v19;
	v10 =	vld [tilespmem:s28+$0x70];
	v4 =	vadd.f32 v4, v14  }
.LBB2_3:
0x92: {  	v14 =	vld [tilespmem:s31+$0xE0];
	v11 =	vadd.f32 v13, v11;
	v1 =	vadd.f32 v12, v1;
	v5 =	vmul.f32 v7, v5;
	s28 =	sadd.s32 $0x200, s28  }
0x93: {  	v7 =	vld [tilespmem:s28+$0xE0]  }
0x94: {  	v12 =	vld [tilespmem:s31+$0xC0];
	[tilespmem:s29+$0xFFFFFFE0] =	vst v11;
	v2 =	vadd.f32 v5, v2;
	v5 =	vmul.f32 v8, v6  }
0x95: {  	v6 =	vld [tilespmem:s28+$0xC0]  }
0x96: {  	v8 =	vld [tilespmem:s31+$0x80];
	v1 =	vadd.f32 v2, v1;
	v2 =	vadd.f32 v5, v3;
	v3 =	vmul.f32 v10, v9  }
0x97: {  	v5 =	vld [tilespmem:s28+$0x80]  }
0x98: {  	v9 =	vld [tilespmem:s31+$0x90];
	[tilespmem:s29+$0xFFFFFFF0] =	vst v1;
	v1 =	vadd.f32 v3, v4  }
0x99: {  	v3 =	vld [tilespmem:s28+$0x90]  }
0x9a: {  	v4 =	vld [tilespmem:s31+$0xA0];
	v1 =	vadd.f32 v1, v2  }
0x9b: {  	v2 =	vld [tilespmem:s28+$0xA0]  }
0x9c: {  	v10 =	vld [tilespmem:s31+$0xB0];
	[tilespmem:s29+$0x0] =	vst v1  }
0x9d: {  	s30 =	sadd.s32 $0x4, s30;
	v1 =	vld [tilespmem:s28+$0xB0]  }
0x9e: {  	p0 =	slt.u32 s30, $0x4C;
	v11 =	vld [tilespmem:s31+$0xD0]  }
0x9f: {  	v13 =	vld [tilespmem:s28+$0xD0]  }
0xa0: {  	v15 =	vld [tilespmem:s31+$0xF0]  }
0xa1: {  	v5 =	vmul.f32 v5, v8;
	v3 =	vmul.f32 v3, v9;
	v8 =	vld [tilespmem:s28+$0xF0]  }
0xa2: {  	v2 =	vmul.f32 v2, v4;
	v9 =	vld [tilespmem:s28+$0xFFFFFF00];
	v1 =	vmul.f32 v1, v10  }
0xa3: {  	v6 =	vmul.f32 v6, v12;
	v4 =	vld [tilespmem:s31+$0xFFFFFF10]  }
0xa4: {  	v2 =	vadd.f32 v2, v5;
	v10 =	vld [tilespmem:s28+$0xFFFFFF10];
	v1 =	vadd.f32 v1, v3;
	v3 =	vmul.f32 v13, v11  }
0xa5: {  	v7 =	vmul.f32 v7, v14;
	v5 =	vld [tilespmem:s31+$0xFFFFFF20]  }
0xa6: {  	v2 =	vadd.f32 v6, v2;
	v11 =	vld [tilespmem:s28+$0xFFFFFF20];
	v1 =	vadd.f32 v3, v1;
	v3 =	vmul.f32 v8, v15  }
0xa7: {  	v6 =	vld [tilespmem:s31+$0xFFFFFF30]  }
0xa8: {  	v2 =	vadd.f32 v7, v2;
	v8 =	vld [tilespmem:s28+$0xFFFFFF30];
	v1 =	vadd.f32 v3, v1  }
0xa9: {  	v3 =	vmul.f32 v10, v4;
	v4 =	vld [tilespmem:s31+$0xFFFFFF80]  }
0xaa: {  	v7 =	vld [tilespmem:s28+$0xFFFFFF80];
	v1 =	vadd.f32 v1, v2  }
0xab: {  	s29 =	sadd.s32 $0x40, s29;
	v2 =	vmul.f32 v11, v5;
	v5 =	vld [tilespmem:s31+$0xFFFFFF90]  }
0xac: {  	v10 =	vld [tilespmem:s28+$0xFFFFFF90];
	[tilespmem:s29+$0x10] =	vst v1  }
0xad: {  	v1 =	vmul.f32 v8, v6;
	v6 =	vld [tilespmem:s31+$0xFFFFFFA0]  }
0xae: {  	v8 =	vld [tilespmem:s28+$0xFFFFFFA0]  }
0xaf: {  	v1 =	vadd.f32 v1, v3;
	v3 =	vmul.f32 v7, v4;
	v4 =	vld [tilespmem:s31+$0xFFFFFFB0]  }
0xb0: {  	v7 =	vld [tilespmem:s28+$0xFFFFFFB0]  }
0xb1: {  	v5 =	vmul.f32 v10, v5;
	v10 =	vld [tilespmem:s31+$0x0]  }
0xb2: {  	v11 =	vld [tilespmem:s28+$0x0]  }
0xb3: {  	v6 =	vmul.f32 v8, v6;
	v8 =	vld [tilespmem:s31+$0x10]  }
0xb4: {  	v12 =	vld [tilespmem:s28+$0x10]  }
0xb5: {  	v3 =	vadd.f32 v6, v3;
	v4 =	vmul.f32 v7, v4;
	v6 =	vld [tilespmem:s31+$0x20]  }
0xb6: {  	v7 =	vld [tilespmem:s28+$0x20]  }
0xb7: {  	v4 =	vadd.f32 v4, v5;
	v5 =	vmul.f32 v11, v10;
	v10 =	vld [tilespmem:s31+$0x30]  }
0xb8: {  	v11 =	vld [tilespmem:s28+$0x30]  }
0xb9: {  	v13 =	vld [tilespmem:s31+$0xFFFFFF00];
	v8 =	vmul.f32 v12, v8  }
0xba: {  	v12 =	vld [tilespmem:s31+$0xFFFFFF40]  }
0xbb: {  	v14 =	vld [tilespmem:s28+$0xFFFFFF40];
	v6 =	vmul.f32 v7, v6  }
0xbc: {  	v7 =	vld [tilespmem:s31+$0xFFFFFF50]  }
0xbd: {  	v15 =	vld [tilespmem:s28+$0xFFFFFF50];
	v5 =	vadd.f32 v6, v5;
	v6 =	vmul.f32 v11, v10  }
0xbe: {  	v9 =	vmul.f32 v9, v13;
	v10 =	vld [tilespmem:s31+$0xFFFFFFC0]  }
0xbf: {  	v11 =	vld [tilespmem:s28+$0xFFFFFFC0];
	v6 =	vadd.f32 v6, v8  }
0xc0: {  	v2 =	vadd.f32 v2, v9;
	v8 =	vmul.f32 v14, v12;
	v9 =	vld [tilespmem:s31+$0xFFFFFFD0]  }
0xc1: {  	v12 =	vld [tilespmem:s28+$0xFFFFFFD0]  }
0xc2: {  	v8 =	vadd.f32 v8, v2;
	v2 =	vmul.f32 v15, v7;
	v7 =	vld [tilespmem:s31+$0x40]  }
0xc3: {  	v13 =	vld [tilespmem:s28+$0x40]  }
0xc4: {  	v14 =	vadd.f32 v2, v1;
	v1 =	vmul.f32 v11, v10;
	v10 =	vld [tilespmem:s31+$0x50]  }
0xc5: {  	v11 =	vld [tilespmem:s28+$0x50]  }
0xc6: {  	v15 =	vld [tilespmem:s31+$0xFFFFFF60];
	v1 =	vadd.f32 v1, v3;
	v2 =	vmul.f32 v12, v9  }
0xc7: {  	v9 =	vld [tilespmem:s28+$0xFFFFFF60]  }
0xc8: {  	v12 =	vld [tilespmem:s31+$0xFFFFFF70];
	v2 =	vadd.f32 v2, v4;
	v3 =	vmul.f32 v13, v7  }
0xc9: {  	v13 =	vld [tilespmem:s28+$0xFFFFFF70]  }
0xca: {  	v16 =	vld [tilespmem:s31+$0xFFFFFFE0];
	v3 =	vadd.f32 v3, v5;
	v4 =	vmul.f32 v11, v10  }
0xcb: {  	v10 =	vld [tilespmem:s28+$0xFFFFFFE0]  }
0xcc: {  	v9 =	vmul.f32 v9, v15;
	v5 =	vld [tilespmem:s31+$0xFFFFFFF0];
	v4 =	vadd.f32 v4, v6  }
.Ltmp0:
0xcd: {  	v7 =	vld [tilespmem:s28+$0xFFFFFFF0];
	(pc) =	sbr.rel @p0 .LBB2_3-.Ltmp0, $4  }
0xce: {  	v11 =	vadd.f32 v9, v8;
	v9 =	vmul.f32 v13, v12;
	v6 =	vld [tilespmem:s31+$0x60]  }
0xcf: {  	v8 =	vld [tilespmem:s28+$0x60]  }
0xd0: {  	v13 =	vadd.f32 v9, v14;
	v12 =	vmul.f32 v10, v16;
	v9 =	vld [tilespmem:s31+$0x70]  }
0xd1: {  	s31 =	sadd.s32 $0x200, s31;
	v10 =	vld [tilespmem:s28+$0x70]  }
0xd2: {  	_ =	sdelay $0x2  }
0xd3: {  	v5 =	vmul.f32 v7, v5  }
0xd4: {  	v43 =	vadd.f32 v13, v11;
	v6 =	vmul.f32 v8, v6;
	v44 =	vmul.f32 v10, v9  }
0xd5: {  	v1 =	vadd.f32 v12, v1;
	v2 =	vadd.f32 v5, v2  }
0xd6: {  	v3 =	vadd.f32 v6, v3;
	v4 =	vadd.f32 v44, v4  }
0xd7: {  	v1 =	vadd.f32 v2, v1  }
0xd8: {  	[tilespmem:s29+$0xFFFFFFE0] =	vst v43;
	v2 =	vadd.f32 v4, v3  }
0xd9: {  	[tilespmem:s29+$0xFFFFFFF0] =	vst v1  }
0xda: {  	[tilespmem:s29+$0x0] =	vst v2  }
0xdb: {  	v1 =	vld.idx.msk [tilespmem:v0+s22+$0x0], $0xffff  }
0xdc: {  	v2 =	vld [tilespmem:$0x1FD40]  }
0xdd: {  	v3 =	vld [tilespmem:$0x1FD50]  }
0xde: {  	v12 =	vld [tilespmem:$0x1FD60]  }
0xdf: {  	v13 =	vld [tilespmem:$0x1FD70]  }
0xe0: {  	v14 =	vld [tilespmem:$0x1FD80]  }
0xe1: {  	v7 =	vld [tilespmem:$0x1FD90]  }
0xe2: {  	v15 =	vld [tilespmem:$0x1FDA0]  }
0xe3: {  	v16 =	vld [tilespmem:$0x1FDB0]  }
0xe4: {  	v17 =	vld [tilespmem:$0x1FDC0]  }
0xe5: {  	v18 =	vld [tilespmem:$0x1FDD0]  }
0xe6: {  	v19 =	vld [tilespmem:$0x1FDE0]  }
0xe7: {  	v20 =	vld [tilespmem:$0x1FDF0]  }
0xe8: {  	v2 =	vld.idx.msk [tilespmem:v2+s22+$0x0], $0xffff  }
0xe9: {  	v3 =	vld.idx.msk [tilespmem:v3+s22+$0x0], $0xffff  }
0xea: {  	v4 =	vld.idx.msk [tilespmem:v12+s22+$0x0], $0xffff  }
0xeb: {  	v5 =	vld.idx.msk [tilespmem:v13+s22+$0x0], $0xffff  }
0xec: {  	v6 =	vld.idx.msk [tilespmem:v14+s22+$0x0], $0xffff  }
0xed: {  	v8 =	vld.idx.msk [tilespmem:v15+s22+$0x0], $0xffff  }
0xee: {  	v9 =	vld.idx.msk [tilespmem:v16+s22+$0x0], $0xffff  }
0xef: {  	v14 =	vld [tilespmem:$0x1FE00]  }
0xf0: {  	v15 =	vld [tilespmem:$0x1FE10]  }
0xf1: {  	v16 =	vld [tilespmem:$0x1FE20]  }
0xf2: {  	v7 =	vld.idx.msk [tilespmem:v7+s22+$0x0], $0xffff  }
0xf3: {  	v10 =	vld.idx.msk [tilespmem:v17+s22+$0x0], $0xffff  }
0xf4: {  	v11 =	vld.idx.msk [tilespmem:v18+s22+$0x0], $0xffff  }
0xf5: {  	v12 =	vld.idx.msk [tilespmem:v19+s22+$0x0], $0xffff  }
0xf6: {  	v13 =	vld.idx.msk [tilespmem:v20+s22+$0x0], $0xffff  }
0xf7: {  	v14 =	vld.idx.msk [tilespmem:v14+s22+$0x0], $0xffff  }
0xf8: {  	v15 =	vld.idx.msk [tilespmem:v15+s22+$0x0], $0xffff  }
0xf9: {  	v16 =	vld.idx.msk [tilespmem:v16+s22+$0x0], $0xffff;
	_ =	sdelay $0x1  }
0xfa: {  	v1 =	vadd.f32 v2, v1;
	v2 =	vadd.f32 v4, v3  }
0xfb: {  	v3 =	vadd.f32 v6, v5;
	v21 =	vadd.f32 v8, v7  }
0xfc: {  	v22 =	vadd.f32 v10, v9;
	v23 =	vadd.f32 v12, v11  }
0xfd: {  	v24 =	vadd.f32 v14, v13;
	v25 =	vadd.f32 v16, v15  }
0xfe: {  	v1 =	vadd.f32 v2, v1;
	v2 =	vadd.f32 v21, v3  }
0xff: {  	v3 =	vadd.f32 v23, v22;
	v26 =	vadd.f32 v25, v24;
	_ =	sdelay $0x1  }
0x100: {  	v1 =	vadd.f32 v2, v1;
	v2 =	vadd.f32 v26, v3;
	_ =	sdelay $0x1  }
0x101: {  	v1 =	vadd.f32 v2, v1;
	_ =	sdelay $0x1  }
0x102: {  	v1 =	vsub.f32 $0.0e+00, v1;
	_ =	sdelay $0x1  }
0x103: {  	v1 =	vmul.f32 $1.442695020e+00, v1;
	_ =	sdelay $0x1  }
0x104: {  	(erf) = vpow2.f32 v1;
	_ =	sdelay $0x6  }
0x105: {  	v27 =	vld [tilespmem:$0x1FE60]  }
0x106: {  	v28 =	vld [tilespmem:$0x1FE70]  }
0x107: {  	v29 =	vld [tilespmem:$0x1FE80];
	v1 =	vpop (erf)  }
0x108: {  	v30 =	vld [tilespmem:$0x1FE90];
	v1 =	vadd.f32 $1.000000000e+00, v1  }
0x109: {  	v31 =	vld [tilespmem:$0x1FEA0]  }
0x10a: {  	v32 =	vld [tilespmem:$0x1FEB0];
	(erf) = vrcp.f32 v1  }
0x10b: {  	v33 =	vld [tilespmem:$0x1FEC0]  }
0x10c: {  	v34 =	vld [tilespmem:$0x1FED0]  }
0x10d: {  	v2 =	vld [tilespmem:$0x1FE40]  }
0x10e: {  	v3 =	vld [tilespmem:$0x1FE50]  }
0x10f: {  	v35 =	vld [tilespmem:$0x1FEE0]  }
0x110: {  	v36 =	vld [tilespmem:$0x1FEF0]  }
0x111: {  	s28 =	smul.u32 $0x140, s26;
	v37 =	vld [tilespmem:$0x1FF00]  }
0x112: {  	v38 =	vld [tilespmem:$0x1FF10]  }
0x113: {  	s28 =	sshra.s32 s28, $0x2;
	v39 =	vld [tilespmem:$0x1FF20];
	v1 =	vpop (erf)  }
0x114: {  	[tilespmem:s28+$0x4E20] =	vst v1;
	v1 =	vld [tilespmem:$0x1FE30]  }
0x115: {  	v2 =	vld.idx.msk [tilespmem:v2+s22+$0x0], $0xffff  }
0x116: {  	v3 =	vld.idx.msk [tilespmem:v3+s22+$0x0], $0xffff  }
0x117: {  	v4 =	vld.idx.msk [tilespmem:v27+s22+$0x0], $0xffff  }
0x118: {  	v5 =	vld.idx.msk [tilespmem:v28+s22+$0x0], $0xffff  }
0x119: {  	v6 =	vld.idx.msk [tilespmem:v29+s22+$0x0], $0xffff  }
0x11a: {  	v7 =	vld.idx.msk [tilespmem:v30+s22+$0x0], $0xffff  }
0x11b: {  	v8 =	vld.idx.msk [tilespmem:v31+s22+$0x0], $0xffff  }
0x11c: {  	v9 =	vld.idx.msk [tilespmem:v32+s22+$0x0], $0xffff  }
0x11d: {  	v10 =	vld.idx.msk [tilespmem:v33+s22+$0x0], $0xffff  }
0x11e: {  	v11 =	vld.idx.msk [tilespmem:v34+s22+$0x0], $0xffff  }
0x11f: {  	v13 =	vld.idx.msk [tilespmem:v36+s22+$0x0], $0xffff  }
0x120: {  	v14 =	vld.idx.msk [tilespmem:v37+s22+$0x0], $0xffff  }
0x121: {  	v15 =	vld.idx.msk [tilespmem:v38+s22+$0x0], $0xffff  }
0x122: {  	v16 =	vld.idx.msk [tilespmem:v39+s22+$0x0], $0xffff  }
0x123: {  	v1 =	vld.idx.msk [tilespmem:v1+s22+$0x0], $0xffff  }
0x124: {  	v12 =	vld.idx.msk [tilespmem:v35+s22+$0x0], $0xffff;
	_ =	sdelay $0x1  }
0x125: {  	v40 =	vadd.f32 v8, v7;
	v41 =	vadd.f32 v10, v9  }
0x126: {  	v43 =	vadd.f32 v14, v13;
	v44 =	vadd.f32 v16, v15  }
0x127: {  	v1 =	vadd.f32 v2, v1;
	v2 =	vadd.f32 v4, v3  }
0x128: {  	v42 =	vadd.f32 v12, v11;
	v3 =	vadd.f32 v6, v5  }
0x129: {  	v12 =	vadd.f32 v44, v43;
	v1 =	vadd.f32 v2, v1  }
0x12a: {  	v2 =	vadd.f32 v40, v3;
	v3 =	vadd.f32 v42, v41;
	_ =	sdelay $0x1  }
0x12b: {  	v1 =	vadd.f32 v2, v1;
	v2 =	vadd.f32 v12, v3;
	_ =	sdelay $0x1  }
0x12c: {  	v1 =	vadd.f32 v2, v1;
	_ =	sdelay $0x1  }
0x12d: {  	v1 =	vsub.f32 $0.0e+00, v1;
	_ =	sdelay $0x1  }
0x12e: {  	v1 =	vmul.f32 $1.442695020e+00, v1;
	_ =	sdelay $0x1  }
0x12f: {  	(erf) = vpow2.f32 v1;
	_ =	sdelay $0x8  }
0x130: {  	v1 =	vpop (erf)  }
0x131: {  	v17 =	vld [tilespmem:$0x1FFA0];
	v1 =	vadd.f32 $1.000000000e+00, v1  }
0x132: {  	v18 =	vld [tilespmem:$0x1FFB0]  }
0x133: {  	v19 =	vld [tilespmem:$0x1FFC0];
	(erf) = vrcp.f32 v1  }
0x134: {  	v20 =	vld [tilespmem:$0x1FFD0]  }
0x135: {  	v21 =	vld [tilespmem:$0x1FFE0]  }
0x136: {  	v2 =	vld [tilespmem:$0x1FF40]  }
0x137: {  	v3 =	vld [tilespmem:$0x1FF50]  }
0x138: {  	v13 =	vld [tilespmem:$0x1FF60]  }
0x139: {  	v14 =	vld [tilespmem:$0x1FF70]  }
0x13a: {  	v15 =	vld [tilespmem:$0x1FF80]  }
0x13b: {  	v16 =	vld [tilespmem:$0x1FF90]  }
0x13c: {  	v22 =	vld [tilespmem:$0x1FFF0];
	v1 =	vpop (erf)  }
0x13d: {  	[tilespmem:s28+$0x4E30] =	vst v1;
	v1 =	vld [tilespmem:$0x1FF30]  }
0x13e: {  	v2 =	vld.idx.msk [tilespmem:v2+s22+$0x0], $0xffff  }
0x13f: {  	v3 =	vld.idx.msk [tilespmem:v3+s22+$0x0], $0xffff  }
0x140: {  	v4 =	vld.idx.msk [tilespmem:v13+s22+$0x0], $0xffff  }
0x141: {  	v5 =	vld.idx.msk [tilespmem:v14+s22+$0x0], $0xffff  }
0x142: {  	v6 =	vld.idx.msk [tilespmem:v15+s22+$0x0], $0xffff  }
0x143: {  	v7 =	vld.idx.msk [tilespmem:v16+s22+$0x0], $0xffff  }
0x144: {  	v8 =	vld.idx.msk [tilespmem:v17+s22+$0x0], $0xffff  }
0x145: {  	v9 =	vld.idx.msk [tilespmem:v18+s22+$0x0], $0xffff  }
0x146: {  	v10 =	vld.idx.msk [tilespmem:v19+s22+$0x0], $0xffff  }
0x147: {  	v11 =	vld.idx.msk [tilespmem:v20+s22+$0x0], $0xffff  }
0x148: {  	v13 =	vld.idx.msk [tilespmem:v22+s22+$0x0], $0xffff  }
0x149: {  	v23 =	vld.idx.msk [tilespmem:v45+s22+$0x0], $0xffff  }
0x14a: {  	v24 =	vld.idx.msk [tilespmem:v46+s22+$0x0], $0xffff  }
0x14b: {  	v25 =	vld.idx.msk [tilespmem:v47+s22+$0x0], $0xffff  }
0x14c: {  	v1 =	vld.idx.msk [tilespmem:v1+s22+$0x0], $0xffff  }
0x14d: {  	v12 =	vld.idx.msk [tilespmem:v21+s22+$0x0], $0xffff;
	_ =	sdelay $0x1  }
0x14e: {  	v26 =	vadd.f32 v8, v7;
	v27 =	vadd.f32 v10, v9  }
0x14f: {  	v29 =	vadd.f32 v23, v13;
	v30 =	vadd.f32 v25, v24  }
0x150: {  	v1 =	vadd.f32 v2, v1;
	v2 =	vadd.f32 v4, v3  }
0x151: {  	v28 =	vadd.f32 v12, v11;
	v3 =	vadd.f32 v6, v5  }
0x152: {  	v31 =	vadd.f32 v30, v29;
	v1 =	vadd.f32 v2, v1  }
0x153: {  	v2 =	vadd.f32 v26, v3;
	v3 =	vadd.f32 v28, v27;
	_ =	sdelay $0x1  }
0x154: {  	v1 =	vadd.f32 v2, v1;
	v2 =	vadd.f32 v31, v3;
	_ =	sdelay $0x1  }
0x155: {  	v1 =	vadd.f32 v2, v1;
	_ =	sdelay $0x1  }
0x156: {  	v1 =	vsub.f32 $0.0e+00, v1;
	_ =	sdelay $0x1  }
0x157: {  	v1 =	vmul.f32 $1.442695020e+00, v1;
	_ =	sdelay $0x1  }
0x158: {  	(erf) = vpow2.f32 v1;
	_ =	sdelay $0x8  }
0x159: {  	v1 =	vpop (erf)  }
0x15a: {  	v1 =	vadd.f32 $1.000000000e+00, v1;
	_ =	sdelay $0x1  }
0x15b: {  	(erf) = vrcp.f32 v1;
	_ =	sdelay $0x8  }
0x15c: {  	v1 =	vpop (erf)  }
0x15d: {  	[tilespmem:s28+$0x4E40] =	vst v1  }
0x15e: {  	v1 =	vld.idx.msk [tilespmem:v48+s22+$0x0], $0xffff  }
0x15f: {  	v2 =	vld.idx.msk [tilespmem:v49+s22+$0x0], $0xffff  }
0x160: {  	v3 =	vld.idx.msk [tilespmem:v50+s22+$0x0], $0xffff  }
0x161: {  	v32 =	vld.idx.msk [tilespmem:v51+s22+$0x0], $0xffff  }
0x162: {  	v33 =	vld.idx.msk [tilespmem:v52+s22+$0x0], $0xffff  }
0x163: {  	v34 =	vld.idx.msk [tilespmem:v53+s22+$0x0], $0xffff  }
0x164: {  	v35 =	vld.idx.msk [tilespmem:v54+s22+$0x0], $0xffff  }
0x165: {  	v36 =	vld.idx.msk [tilespmem:v55+s22+$0x0], $0xffff  }
0x166: {  	v37 =	vld.idx.msk [tilespmem:v56+s22+$0x0], $0xffff  }
0x167: {  	v38 =	vld.idx.msk [tilespmem:v57+s22+$0x0], $0xffff  }
0x168: {  	v39 =	vld.idx.msk [tilespmem:v58+s22+$0x0], $0xffff  }
0x169: {  	v40 =	vld.idx.msk [tilespmem:v59+s22+$0x0], $0xffff  }
0x16a: {  	v41 =	vld.idx.msk [tilespmem:v60+s22+$0x0], $0xffff  }
0x16b: {  	v42 =	vld.idx.msk [tilespmem:v61+s22+$0x0], $0xffff  }
0x16c: {  	v43 =	vld.idx.msk [tilespmem:v62+s22+$0x0], $0xffff  }
0x16d: {  	v44 =	vld.idx.msk [tilespmem:v63+s22+$0x0], $0xffff;
	_ =	sdelay $0x1  }
0x16e: {  	v1 =	vadd.f32 v2, v1;
	v2 =	vadd.f32 v32, v3  }
0x16f: {  	v3 =	vadd.f32 v34, v33;
	v19 =	vadd.f32 v36, v35  }
0x170: {  	v20 =	vadd.f32 v38, v37;
	v21 =	vadd.f32 v40, v39  }
0x171: {  	v22 =	vadd.f32 v42, v41;
	v23 =	vadd.f32 v44, v43  }
0x172: {  	v1 =	vadd.f32 v2, v1;
	v2 =	vadd.f32 v19, v3  }
0x173: {  	v3 =	vadd.f32 v21, v20;
	v24 =	vadd.f32 v23, v22;
	_ =	sdelay $0x1  }
0x174: {  	v1 =	vadd.f32 v2, v1;
	v2 =	vadd.f32 v24, v3;
	_ =	sdelay $0x1  }
0x175: {  	v1 =	vadd.f32 v2, v1;
	_ =	sdelay $0x1  }
0x176: {  	v1 =	vsub.f32 $0.0e+00, v1;
	_ =	sdelay $0x1  }
0x177: {  	v1 =	vmul.f32 $1.442695020e+00, v1;
	_ =	sdelay $0x1  }
0x178: {  	(erf) = vpow2.f32 v1;
	_ =	sdelay $0x8  }
0x179: {  	v1 =	vpop (erf)  }
0x17a: {  	v1 =	vadd.f32 $1.000000000e+00, v1;
	_ =	sdelay $0x1  }
0x17b: {  	(erf) = vrcp.f32 v1;
	_ =	sdelay $0x5  }
0x17c: {  	v1 =	vor.u32 $0x400, v0  }
0x17d: {  	v2 =	vor.u32 $0x401, v0  }
0x17e: {  	v3 =	vor.u32 $0x402, v0  }
0x17f: {  	v26 =	vor.u32 $0x403, v0;
	v25 =	vpop (erf)  }
0x180: {  	v27 =	vor.u32 $0x404, v0;
	[tilespmem:s28+$0x4E50] =	vst v25  }
0x181: {  	v28 =	vor.u32 $0x405, v0;
	v1 =	vld.idx.msk [tilespmem:v1+s22+$0x0], $0xffff  }
0x182: {  	v29 =	vor.u32 $0x406, v0;
	v2 =	vld.idx.msk [tilespmem:v2+s22+$0x0], $0xffff  }
0x183: {  	v30 =	vor.u32 $0x407, v0;
	v3 =	vld.idx.msk [tilespmem:v3+s22+$0x0], $0xffff  }
0x184: {  	v31 =	vor.u32 $0x408, v0;
	v5 =	vld.idx.msk [tilespmem:v26+s22+$0x0], $0xffff  }
0x185: {  	v32 =	vor.u32 $0x409, v0;
	v4 =	vld.idx.msk [tilespmem:v27+s22+$0x0], $0xffff  }
0x186: {  	v33 =	vor.u32 $0x40A, v0;
	v6 =	vld.idx.msk [tilespmem:v28+s22+$0x0], $0xffff  }
0x187: {  	v34 =	vor.u32 $0x40B, v0;
	v7 =	vld.idx.msk [tilespmem:v29+s22+$0x0], $0xffff  }
0x188: {  	v35 =	vor.u32 $0x40C, v0;
	v8 =	vld.idx.msk [tilespmem:v30+s22+$0x0], $0xffff  }
0x189: {  	v36 =	vor.u32 $0x40D, v0;
	v9 =	vld.idx.msk [tilespmem:v31+s22+$0x0], $0xffff  }
0x18a: {  	v37 =	vor.u32 $0x40E, v0;
	v10 =	vld.idx.msk [tilespmem:v32+s22+$0x0], $0xffff  }
0x18b: {  	v38 =	vor.u32 $0x40F, v0;
	v11 =	vld.idx.msk [tilespmem:v33+s22+$0x0], $0xffff  }
0x18c: {  	v12 =	vld.idx.msk [tilespmem:v34+s22+$0x0], $0xffff  }
0x18d: {  	v13 =	vld.idx.msk [tilespmem:v35+s22+$0x0], $0xffff  }
0x18e: {  	v14 =	vld.idx.msk [tilespmem:v36+s22+$0x0], $0xffff  }
0x18f: {  	v15 =	vld.idx.msk [tilespmem:v37+s22+$0x0], $0xffff  }
0x190: {  	v16 =	vld.idx.msk [tilespmem:v38+s22+$0x0], $0xffff;
	_ =	sdelay $0x1  }
0x191: {  	v1 =	vadd.f32 v2, v1;
	v2 =	vadd.f32 v5, v3  }
0x192: {  	v3 =	vadd.f32 v6, v4;
	v39 =	vadd.f32 v8, v7  }
0x193: {  	v40 =	vadd.f32 v10, v9;
	v41 =	vadd.f32 v12, v11  }
0x194: {  	v42 =	vadd.f32 v14, v13;
	v43 =	vadd.f32 v16, v15  }
0x195: {  	v1 =	vadd.f32 v2, v1;
	v2 =	vadd.f32 v39, v3  }
0x196: {  	v3 =	vadd.f32 v41, v40;
	v44 =	vadd.f32 v43, v42;
	_ =	sdelay $0x1  }
0x197: {  	v1 =	vadd.f32 v2, v1;
	v2 =	vadd.f32 v44, v3;
	_ =	sdelay $0x1  }
0x198: {  	v1 =	vadd.f32 v2, v1;
	_ =	sdelay $0x1  }
0x199: {  	v1 =	vsub.f32 $0.0e+00, v1;
	_ =	sdelay $0x1  }
0x19a: {  	v1 =	vmul.f32 $1.442695020e+00, v1;
	_ =	sdelay $0x1  }
0x19b: {  	(erf) = vpow2.f32 v1;
	_ =	sdelay $0x8  }
0x19c: {  	v1 =	vpop (erf)  }
0x19d: {  	v1 =	vadd.f32 $1.000000000e+00, v1;
	_ =	sdelay $0x1  }
0x19e: {  	(erf) = vrcp.f32 v1;
	_ =	sdelay $0x3  }
0x19f: {  	s26 =	sadd.s32 $0x1, s26  }
0x1a0: {  	p0 =	sne.s32 s26, $0x7D  }
.Ltmp1:
0x1a1: {  	_ = 	snop;
	(pc) =	sbr.rel @p0 .LBB2_2-.Ltmp1, $3  }
0x1a2: {  	_ =	sdelay $0x1  }
0x1a3: {  	v1 =	vpop (erf)  }
0x1a4: {  	s25 =	sadd.s32 $0x1, s25;
	[tilespmem:s28+$0x4E60] =	vst v1  }
0x1a5: {  	s24 =	sadd.s32 $0x1, s24  }
0x1a6: {  	p0 =	sne.s32 s24, s7  }
.Ltmp2:
0x1a7: {  	_ = 	snop;
	(pc) =	sbr.rel @p0 .LBB2_1-.Ltmp2, $4  }
0x1a8: {  	[hbm4b:s6+s3] =	stream.linear.scatter [tilespmem:s23], [sflag:$0x3], $0x2710, $0x38;
	[tilespmem:$0x1BA30] =	vst v63  }
0x1a9: {  	_ =	swait.ge [sflag:s8], $0x2710  }
0x1aa: {  	[sflag:s8] =	ssyncset.done $0x0  }
0x1ab: {  	[sflag:s8] =	ssyncadd.s32 $0xFFFFD8F0  }
0x1ac: {  	_ =	sfence.sel $0x180000  }
0x1ad: {  	[bflag:$0x0] =	sbarrier.arrive $0xFFFF  }
0x1ae: {  	p0 =	sne.s32 s1, $0x0;
	_ =	strace $0x90000047  }
0x1af: {  	s0 =	sadd.s32 @!p0 $0x100000, s2;
	[bflag:$0x2] =	sbarrier.arrive $0xFFFF  }
0x1b0: {  	[sflag:s0] =	ssyncadd.tile.s32 @!p0 $0x1;
	_ =	shalt  }
.Lfunc_end2:
_tile_overlayer_lowered:
.L_overlay_start_2:
0x1b1: {  	(tag) =	ssettag $0x2  }
0x1b2: {  	s0 =	rddreg [dreg:$0x0];
	s2 =	stileid.u32  }
0x1b3: {  	s1 =	rddreg [dreg:$0x1];
	p0 =	sne.s32 s2, $0x0  }
0x1b4: {  	s3 =	rddreg [dreg:$0x2];
	[bflag:$0x3] =	sbarrier.arrive $0xFFFF;
	s2 =	simm.s32 @!p0 $0x1C03  }
0x1b5: {  	[timem:s3], [sflag:s2] =	dma.local @!p0 [hbm:s0], s1  }
0x1b6: {  	s0 =	simm.s32 @!p0 $0x3  }
0x1b7: {  	_ =	swait.ge @!p0 [sflag:s0], s1  }
0x1b8: {  	s1 =	ssub.s32 @!p0 $0x0, s1;
	[sflag:s0] =	ssyncset.done @!p0 $0x0  }
0x1b9: {  	[sflag:s0] =	ssyncadd.s32 @!p0 s1  }
0x1ba: {  	[bflag:$0x3] =	sbarrier.arrive $0xFFFF  }
0x1bb: {  	_ =	shalt  }

</sc_bundles>
